<compile_context>
chip_gen: v7x
topology: tpu7x:2x2x1
jax: 0.10.2.dev20260603
libtpu: 0.0.44.dev20260713+nightly
codegen_flags: <defaults>
</compile_context>

<pallas_src>
import functools

import jax
import jax.numpy as jnp
from jax import lax
from jax.experimental import pallas as pl
from jax.experimental.pallas import tpu as pltpu
from jax.experimental.pallas import tpu_sc as plsc

H = 4
O = 32
LEAK = 0.2

_SC_CORES = 2
_SC_SUBCORES = 16
_NW = _SC_CORES * _SC_SUBCORES


def _sc_gather(table, idx):
    V, D = table.shape
    B = idx.shape[0]
    bpw = B // _NW
    mesh = plsc.VectorSubcoreMesh(core_axis_name="c", subcore_axis_name="s")

    @functools.partial(
        pl.kernel,
        mesh=mesh,
        out_type=jax.ShapeDtypeStruct((B, D), jnp.float32),
        scratch_types=[
            pltpu.VMEM((bpw,), jnp.int32),
            pltpu.VMEM((bpw, D), jnp.float32),
            pltpu.SemaphoreType.DMA,
        ],
    )
    def gk(table_hbm, idx_hbm, out_hbm, idx_v, rows_v, sem):
        wid = lax.axis_index("s") * _SC_CORES + lax.axis_index("c")
        base = wid * bpw
        pltpu.sync_copy(idx_hbm.at[pl.ds(base, bpw)], idx_v)
        pltpu.async_copy(table_hbm.at[idx_v], rows_v, sem).wait()
        pltpu.sync_copy(rows_v, out_hbm.at[pl.ds(base, bpw)])

    return gk(table, idx)


def _proj(h, Wfl, Apad):
    Ntot, D = h.shape
    BR = 512

    def body(h_ref, w_ref, a_ref, wh_ref, f_ref):
        wh = jnp.dot(h_ref[...], w_ref[...], preferred_element_type=jnp.float32)
        wh_ref[...] = wh
        f_ref[...] = jnp.dot(wh, a_ref[...], preferred_element_type=jnp.float32)

    return pl.pallas_call(
        body,
        grid=(Ntot // BR,),
        in_specs=[
            pl.BlockSpec((BR, D), lambda i: (i, 0)),
            pl.BlockSpec((D, H * O), lambda i: (0, 0)),
            pl.BlockSpec((D, 16), lambda i: (0, 0)),
        ],
        out_specs=[
            pl.BlockSpec((BR, H * O), lambda i: (i, 0)),
            pl.BlockSpec((BR, 16), lambda i: (i, 0)),
        ],
        out_shape=[
            jax.ShapeDtypeStruct((Ntot, H * O), jnp.float32),
            jax.ShapeDtypeStruct((Ntot, 16), jnp.float32),
        ],
    )(h, Wfl, Apad)


def _pack(F, Ntot):
    fs = F[:, 0:H]
    fd = F[:, 8:8 + H]
    maxd = jnp.max(fd, axis=0, keepdims=True)
    t = fs + maxd
    m = jnp.where(t >= 0, t, LEAK * t)
    srcm = jnp.concatenate([fs, m], axis=1)
    fdstT = jnp.concatenate(
        [fd.T, jnp.zeros((8 - H, Ntot), jnp.float32)], axis=0)
    return srcm, fdstT


def _attn_call(mask, srcm, fdstT, Wh, hres, *, first, last, BI=256, BJ=1024):
    Ntot, Dout = Wh.shape
    NI, NJ = Ntot // BI, Ntot // BJ

    def body(*refs):
        if first:
            (mask_ref, srcm_ref, fdst_ref, wh_ref, hres_ref,
             out_ref, m8_ref, acc_ref, den_ref) = refs
        elif not last:
            (mask_ref, srcm_ref, fdst_ref, wh_ref, hres_ref,
             out_ref, acc_ref, den_ref) = refs
        else:
            (mask_ref, srcm_ref, fdst_ref, wh_ref,
             out_ref, acc_ref, den_ref) = refs
        i = pl.program_id(0)
        j = pl.program_id(1)

        if first:
            rows = i * BI + lax.broadcasted_iota(jnp.int32, (BI, BJ), 0)
            cols = j * BJ + lax.broadcasted_iota(jnp.int32, (BI, BJ), 1)
            keep = jnp.where((mask_ref[...] > 0) | (rows == cols), 1.0, 0.0)
            m8_ref[...] = keep.astype(jnp.int8)
        else:
            keep = mask_ref[...].astype(jnp.float32)

        @pl.when(j == 0)
        def _init():
            acc_ref[...] = jnp.zeros_like(acc_ref)
            den_ref[...] = jnp.zeros_like(den_ref)

        for hh in range(H):
            s = srcm_ref[:, hh:hh + 1]
            m = srcm_ref[:, H + hh:H + hh + 1]
            d = fdst_ref[hh:hh + 1, :]
            t = s + d
            e = jnp.where(t >= 0, t, LEAK * t)
            p = jnp.exp(e - m) * keep
            whj = wh_ref[pl.ds(j * BJ, BJ), O * hh:O * (hh + 1)]
            acc_ref[:, O * hh:O * (hh + 1)] += jnp.dot(
                p, whj, preferred_element_type=jnp.float32)
            den_ref[:, hh:hh + 1] += jnp.sum(p, axis=1, keepdims=True)

        @pl.when(j == NJ - 1)
        def _fin():
            if last:
                tot = acc_ref[:, 0:O] / den_ref[:, 0:1]
                for hh in range(1, H):
                    tot = tot + acc_ref[:, O * hh:O * (hh + 1)] / den_ref[:, hh:hh + 1]
                out_ref[...] = tot * (1.0 / H)
            else:
                for hh in range(H):
                    o = acc_ref[:, O * hh:O * (hh + 1)] / den_ref[:, hh:hh + 1]
                    o = o + hres_ref[:, O * hh:O * (hh + 1)]
                    out_ref[:, O * hh:O * (hh + 1)] = jnp.where(
                        o > 0, o, jnp.exp(o) - 1.0)

    in_specs = [
        pl.BlockSpec((BI, BJ), lambda i, j: (i, j)),
        pl.BlockSpec((BI, 8), lambda i, j: (i, 0)),
        pl.BlockSpec((8, BJ), lambda i, j: (0, j)),
        pl.BlockSpec((Ntot, Dout), lambda i, j: (0, 0)),
    ]
    inputs = [mask, srcm, fdstT, Wh]
    if not last:
        in_specs.append(pl.BlockSpec((BI, Dout), lambda i, j: (i, 0)))
        inputs.append(hres)
        out_specs = [pl.BlockSpec((BI, Dout), lambda i, j: (i, 0))]
        out_shape = [jax.ShapeDtypeStruct((Ntot, Dout), jnp.float32)]
    else:
        out_specs = [pl.BlockSpec((BI, O), lambda i, j: (i, 0))]
        out_shape = [jax.ShapeDtypeStruct((Ntot, O), jnp.float32)]
    if first:
        out_specs.append(pl.BlockSpec((BI, BJ), lambda i, j: (i, j)))
        out_shape.append(jax.ShapeDtypeStruct((Ntot, Ntot), jnp.int8))
    res = pl.pallas_call(
        body,
        grid=(NI, NJ),
        in_specs=in_specs,
        out_specs=out_specs,
        out_shape=out_shape,
        scratch_shapes=[
            pltpu.VMEM((BI, Dout), jnp.float32),
            pltpu.VMEM((BI, 8), jnp.float32),
        ],
        compiler_params=pltpu.CompilerParams(
            dimension_semantics=("arbitrary", "arbitrary")),
    )(*inputs)
    if first:
        return res[0], res[1]
    return res[0]


def kernel(tcword_id, adj, emb, W, a_src, a_dst):
    L = W.shape[0]
    V, D = emb.shape
    Ntot = adj.shape[0]
    idx = tcword_id.astype(jnp.int32)
    h = _sc_gather(emb, idx)

    ind = jnp.kron(jnp.eye(H, dtype=jnp.float32), jnp.ones((O, 1), jnp.float32))
    z4 = jnp.zeros((H * O, H), jnp.float32)
    mask8 = None
    out = None
    for l in range(L):
        Wfl = jnp.transpose(W[l], (1, 0, 2)).reshape(D, H * O)
        Asrc = ind * a_src[l].reshape(-1, 1)
        Adst = ind * a_dst[l].reshape(-1, 1)
        Apad = jnp.concatenate([Asrc, z4, Adst, z4], axis=1)
        Wh, F = _proj(h, Wfl, Apad)
        srcm, fdstT = _pack(F, Ntot)
        if l == 0:
            out, mask8 = _attn_call(adj, srcm, fdstT, Wh, h,
                                    first=True, last=False)
        elif l < L - 1:
            out = _attn_call(mask8, srcm, fdstT, Wh, h,
                             first=False, last=False)
        else:
            out = _attn_call(mask8, srcm, fdstT, Wh, None,
                             first=False, last=True)
        h = out
    return out

# --- scband reference (transcript-rebuilt; emitter-appended) ---
"""Pipeline reference for scband-gatlayered-24524263260989 (READ-ONLY COPY).

The authoritative reference and input builder live on the scoring server;
editing this copy changes nothing except your own understanding.
"""

import jax, jax.numpy as jnp
import numpy as np

VOCAB = 32000
N = 4096
D = 128
H = 4
O = 32
L = 3


def setup_inputs(seed: int = 0) -> dict:
    key = jax.random.key(seed)
    ks = jax.random.split(key, 6)
    tcword_id = jax.random.randint(ks[0], (N,), 0, VOCAB).astype(jnp.int64)
    adj = jax.random.randint(ks[1], (N, N), 0, 2).astype(jnp.int32)
    emb = jax.random.normal(ks[2], (VOCAB, D), dtype=jnp.float32) * 0.02
    W = jax.random.normal(ks[3], (L, H, D, O), dtype=jnp.float32) * (1.0 / np.sqrt(D))
    a_src = jax.random.normal(ks[4], (L, H, O), dtype=jnp.float32) * 0.1
    a_dst = jax.random.normal(ks[5], (L, H, O), dtype=jnp.float32) * 0.1
    return {"tcword_id": tcword_id, "adj": adj, "emb": emb, "W": W, "a_src": a_src, "a_dst": a_dst}


def _gat_layer(h, mask, Wl, asl, adl, concat, residual):
    n = h.shape[0]
    Wh = jnp.einsum('nd,hdo->hno', h, Wl)
    f_src = jnp.einsum('hno,ho->hn', Wh, asl)
    f_dst = jnp.einsum('hno,ho->hn', Wh, adl)
    e = jax.nn.leaky_relu(f_src[:, :, None] + f_dst[:, None, :], negative_slope=0.2)
    e = jnp.where(mask[None, :, :], e, jnp.float32(-1e9))
    alpha = jax.nn.softmax(e, axis=-1)
    out = jnp.einsum('hij,hjo->hio', alpha, Wh)
    if concat:
        out = jnp.transpose(out, (1, 0, 2)).reshape(n, -1)
    else:
        out = jnp.mean(out, axis=0)
    if residual:
        out = out + h
    return out


def reference(tcword_id, adj, emb, W, a_src, a_dst):
    mask = (adj > 0) | jnp.eye(adj.shape[0], dtype=bool)
    h = jnp.take(emb, tcword_id, axis=0)
    for l in range(L - 1):
        h = jax.nn.elu(_gat_layer(h, mask, W[l], a_src[l], a_dst[l], True, True))
    h = _gat_layer(h, mask, W[L - 1], a_src[L - 1], a_dst[L - 1], False, False)
    return h

if __name__ == "__main__":
    import jax
    _d = setup_inputs()
    print(jax.jit(kernel)(*tuple(_d.values())))

</pallas_src>

<mosaic_0001>
#map = affine_map<(d0, d1) -> (0, 0)>
#map1 = affine_map<(d0, d1) -> (0)>
module attributes {stable_mosaic.version = 14 : i64} {
  func.func @gk(%arg0: i32, %arg1: i32, %arg2: memref<32000x128xf32, #tpu.memory_space<hbm>>, %arg3: memref<4096xi32, #tpu.memory_space<hbm>>, %arg4: memref<4096x128xf32, #tpu.memory_space<hbm>>, %arg5: memref<128xi32, #tpu.memory_space<vmem>>, %arg6: memref<128x128xf32, #tpu.memory_space<vmem>>, %arg7: memref<!tpu.dma_semaphore, #tpu.memory_space<semaphore_mem>>) attributes {dimension_semantics = [#tpu.dimension_semantics<core_parallel>, #tpu.dimension_semantics<subcore_parallel>], iteration_bounds = array<i64: 2, 16>, scalar_prefetch = 0 : i64, scratch_operands = 3 : i64, tpu.core_type = #tpu.core_type<sc_vector_subcore>, window_params = [{transform_indices = #map}, {transform_indices = #map1}, {transform_indices = #map}]} {
    %mul3A = arith.constant 2 : i32
    %mul3A_0 = arith.muli %arg1, %mul3A : i32
    %add3A = arith.addi %mul3A_0, %arg0 : i32
    %mul3A_1 = arith.constant 128 : i32
    %mul3A_2 = arith.muli %add3A, %mul3A_1 : i32
    "tpu.region"() ({
      %run_scoped3A = tpu.sem_alloc : memref<!tpu.dma_semaphore, #tpu.memory_space<semaphore_mem>>
      %dma_start3A_7 = tpu.memref_slice %arg3[%mul3A_2] : memref<4096xi32, #tpu.memory_space<hbm>> -> memref<128xi32, #tpu.memory_space<hbm>>
      %dma_start3A_8 = tpu.memref_slice %arg3[%mul3A_2] : memref<4096xi32, #tpu.memory_space<hbm>> -> memref<128xi32, #tpu.memory_space<hbm>>
      tpu.enqueue_dma source(%dma_start3A_8 : memref<128xi32, #tpu.memory_space<hbm>>) target(%arg5 : memref<128xi32, #tpu.memory_space<vmem>>) target_semaphore(%run_scoped3A : memref<!tpu.dma_semaphore, #tpu.memory_space<semaphore_mem>>)
      %dma_wait3A_9 = tpu.memref_slice %arg3[%mul3A_2] : memref<4096xi32, #tpu.memory_space<hbm>> -> memref<128xi32, #tpu.memory_space<hbm>>
      %dma_wait3A_10 = tpu.memref_slice %arg3[%mul3A_2] : memref<4096xi32, #tpu.memory_space<hbm>> -> memref<128xi32, #tpu.memory_space<hbm>>
      tpu.wait_dma2 semaphore(%run_scoped3A : memref<!tpu.dma_semaphore, #tpu.memory_space<semaphore_mem>>) src(%dma_wait3A_10 : memref<128xi32, #tpu.memory_space<hbm>>) dst(%arg5 : memref<128xi32, #tpu.memory_space<vmem>>)
      tpu.yield
    }) : () -> ()
    %dma_start3A = arith.constant 0 : i32
    %dma_start3A_3 = arith.constant 0 : i32
    %dma_start3A_4 = tpu.memref_slice %arg2[%dma_start3A, %dma_start3A_3] : memref<32000x128xf32, #tpu.memory_space<hbm>> -> memref<32000x128xf32, #tpu.memory_space<hbm>>
    tpu.enqueue_indirect_dma source(%dma_start3A_4 : memref<32000x128xf32, #tpu.memory_space<hbm>>) target(%arg6 : memref<128x128xf32, #tpu.memory_space<vmem>>) offsets(%arg5 : memref<128xi32, #tpu.memory_space<vmem>>) semaphore(%arg7 : memref<!tpu.dma_semaphore, #tpu.memory_space<semaphore_mem>>)
    %dma_wait3A = arith.constant 0 : i32
    %dma_wait3A_5 = arith.constant 0 : i32
    %dma_wait3A_6 = tpu.memref_slice %arg2[%dma_wait3A, %dma_wait3A_5] : memref<32000x128xf32, #tpu.memory_space<hbm>> -> memref<32000x128xf32, #tpu.memory_space<hbm>>
    tpu.wait_indirect_dma semaphore(%arg7 : memref<!tpu.dma_semaphore, #tpu.memory_space<semaphore_mem>>) src(%dma_wait3A_6 : memref<32000x128xf32, #tpu.memory_space<hbm>>) dst(%arg6 : memref<128x128xf32, #tpu.memory_space<vmem>>)
    "tpu.region"() ({
      %run_scoped3A = tpu.sem_alloc : memref<!tpu.dma_semaphore, #tpu.memory_space<semaphore_mem>>
      %dma_start3A_7 = arith.constant 0 : i32
      %dma_start3A_8 = tpu.memref_slice %arg4[%mul3A_2, %dma_start3A_7] : memref<4096x128xf32, #tpu.memory_space<hbm>> -> memref<128x128xf32, #tpu.memory_space<hbm>>
      %dma_start3A_9 = arith.constant 0 : i32
      %dma_start3A_10 = tpu.memref_slice %arg4[%mul3A_2, %dma_start3A_9] : memref<4096x128xf32, #tpu.memory_space<hbm>> -> memref<128x128xf32, #tpu.memory_space<hbm>>
      tpu.enqueue_dma source(%arg6 : memref<128x128xf32, #tpu.memory_space<vmem>>) target(%dma_start3A_10 : memref<128x128xf32, #tpu.memory_space<hbm>>) target_semaphore(%run_scoped3A : memref<!tpu.dma_semaphore, #tpu.memory_space<semaphore_mem>>)
      %dma_wait3A_11 = arith.constant 0 : i32
      %dma_wait3A_12 = tpu.memref_slice %arg4[%mul3A_2, %dma_wait3A_11] : memref<4096x128xf32, #tpu.memory_space<hbm>> -> memref<128x128xf32, #tpu.memory_space<hbm>>
      %dma_wait3A_13 = arith.constant 0 : i32
      %dma_wait3A_14 = tpu.memref_slice %arg4[%mul3A_2, %dma_wait3A_13] : memref<4096x128xf32, #tpu.memory_space<hbm>> -> memref<128x128xf32, #tpu.memory_space<hbm>>
      tpu.wait_dma2 semaphore(%run_scoped3A : memref<!tpu.dma_semaphore, #tpu.memory_space<semaphore_mem>>) src(%arg6 : memref<128x128xf32, #tpu.memory_space<vmem>>) dst(%dma_wait3A_14 : memref<128x128xf32, #tpu.memory_space<hbm>>)
      tpu.yield
    }) : () -> ()
    return
  }
}

module attributes {stable_mosaic.version = 14 : i64} {
  func.func @body(%arg0: i32, %arg1: memref<512x128xf32, #tpu.memory_space<vmem>>, %arg2: memref<128x128xf32, #tpu.memory_space<vmem>>, %arg3: memref<128x16xf32, #tpu.memory_space<vmem>>, %arg4: memref<512x128xf32, #tpu.memory_space<vmem>>, %arg5: memref<512x16xf32, #tpu.memory_space<vmem>>) attributes {dimension_semantics = [#tpu.dimension_semantics<arbitrary>], iteration_bounds = array<i64: 8>, scalar_prefetch = 0 : i64, scratch_operands = 0 : i64, tpu.core_type = #tpu.core_type<tc>, window_params = [{transform_indices = @transform_0, window_bounds = array<i64: 512, 128>}, {pipeline_mode = #tpu.pipeline_mode<synchronous>, transform_indices = @transform_1, window_bounds = array<i64: 128, 128>}, {pipeline_mode = #tpu.pipeline_mode<synchronous>, transform_indices = @transform_2, window_bounds = array<i64: 128, 16>}, {transform_indices = @transform_3, window_bounds = array<i64: 512, 128>}, {transform_indices = @transform_4, window_bounds = array<i64: 512, 16>}]} {
    %get3A = arith.constant 0 : index
    %get3A_0 = arith.constant 0 : index
    %get3A_1 = vector.load %arg1[%get3A, %get3A_0] : memref<512x128xf32, #tpu.memory_space<vmem>>, vector<512x128xf32>
    %get3A_2 = arith.constant 0 : index
    %get3A_3 = arith.constant 0 : index
    %get3A_4 = vector.load %arg2[%get3A_2, %get3A_3] : memref<128x128xf32, #tpu.memory_space<vmem>>, vector<128x128xf32>
    %dot_general3A = arith.constant dense<0.000000e+00> : vector<512x128xf32>
    %dot_general3A_5 = tpu.matmul %get3A_1, %get3A_4, %dot_general3A {dimension_numbers = #tpu.dot_dimension_numbers<[1], [0], [0], [1], [0, 0, 1, 1], [], []>, transpose_lhs_hint = false} : vector<512x128xf32>, vector<128x128xf32>, vector<512x128xf32> -> vector<512x128xf32>
    %swap3A = arith.constant 0 : index
    %swap3A_6 = arith.constant 0 : index
    %swap3A_7 = vector.load %arg4[%swap3A, %swap3A_6] : memref<512x128xf32, #tpu.memory_space<vmem>>, vector<512x128xf32>
    tpu.vector_store %arg4[%swap3A, %swap3A_6], %dot_general3A_5 {strides = array<i32>} : memref<512x128xf32, #tpu.memory_space<vmem>>, vector<512x128xf32>,
    %get3A_8 = arith.constant 0 : index
    %get3A_9 = arith.constant 0 : index
    %get3A_10 = vector.load %arg3[%get3A_8, %get3A_9] : memref<128x16xf32, #tpu.memory_space<vmem>>, vector<128x16xf32>
    %dot_general3A_11 = arith.constant dense<0.000000e+00> : vector<512x16xf32>
    %dot_general3A_12 = tpu.matmul %dot_general3A_5, %get3A_10, %dot_general3A_11 {dimension_numbers = #tpu.dot_dimension_numbers<[1], [0], [0], [1], [0, 0, 1, 1], [], []>, transpose_lhs_hint = false} : vector<512x128xf32>, vector<128x16xf32>, vector<512x16xf32> -> vector<512x16xf32>
    %swap3A_13 = arith.constant 0 : index
    %swap3A_14 = arith.constant 0 : index
    %swap3A_15 = vector.load %arg5[%swap3A_13, %swap3A_14] : memref<512x16xf32, #tpu.memory_space<vmem>>, vector<512x16xf32>
    tpu.vector_store %arg5[%swap3A_13, %swap3A_14], %dot_general3A_12 {strides = array<i32>} : memref<512x16xf32, #tpu.memory_space<vmem>>, vector<512x16xf32>,
    return
  }
  func.func @transform_0(%arg0: i32) -> (i32, i32) {
    %c0_i32 = arith.constant 0 : i32
    %c0_i32_0 = arith.constant 0 : i32
    return %arg0, %c0_i32 : i32, i32
  }
  func.func @transform_1(%arg0: i32) -> (i32, i32) {
    %c0_i32 = arith.constant 0 : i32
    %c0_i32_0 = arith.constant 0 : i32
    %c0_i32_1 = arith.constant 0 : i32
    return %c0_i32, %c0_i32_0 : i32, i32
  }
  func.func @transform_2(%arg0: i32) -> (i32, i32) {
    %c0_i32 = arith.constant 0 : i32
    %c0_i32_0 = arith.constant 0 : i32
    %c0_i32_1 = arith.constant 0 : i32
    return %c0_i32, %c0_i32_0 : i32, i32
  }
  func.func @transform_3(%arg0: i32) -> (i32, i32) {
    %c0_i32 = arith.constant 0 : i32
    %c0_i32_0 = arith.constant 0 : i32
    return %arg0, %c0_i32 : i32, i32
  }
  func.func @transform_4(%arg0: i32) -> (i32, i32) {
    %c0_i32 = arith.constant 0 : i32
    %c0_i32_0 = arith.constant 0 : i32
    return %arg0, %c0_i32 : i32, i32
  }
}

module attributes {stable_mosaic.version = 14 : i64} {
  func.func @body(%arg0: i32, %arg1: i32, %arg2: memref<256x1024xi32, #tpu.memory_space<vmem>>, %arg3: memref<256x8xf32, #tpu.memory_space<vmem>>, %arg4: memref<8x1024xf32, #tpu.memory_space<vmem>>, %arg5: memref<4096x128xf32, #tpu.memory_space<vmem>>, %arg6: memref<256x128xf32, #tpu.memory_space<vmem>>, %arg7: memref<256x128xf32, #tpu.memory_space<vmem>>, %arg8: memref<256x1024xi8, #tpu.memory_space<vmem>>, %arg9: memref<256x128xf32, #tpu.memory_space<vmem>>, %arg10: memref<256x8xf32, #tpu.memory_space<vmem>>) attributes {dimension_semantics = [#tpu.dimension_semantics<arbitrary>, #tpu.dimension_semantics<arbitrary>], iteration_bounds = array<i64: 16, 4>, scalar_prefetch = 0 : i64, scratch_operands = 2 : i64, tpu.core_type = #tpu.core_type<tc>, window_params = [{transform_indices = @transform_0, window_bounds = array<i64: 256, 1024>}, {transform_indices = @transform_1, window_bounds = array<i64: 256, 8>}, {transform_indices = @transform_2, window_bounds = array<i64: 8, 1024>}, {pipeline_mode = #tpu.pipeline_mode<synchronous>, transform_indices = @transform_3, window_bounds = array<i64: 4096, 128>}, {transform_indices = @transform_4, window_bounds = array<i64: 256, 128>}, {transform_indices = @transform_5, window_bounds = array<i64: 256, 128>}, {transform_indices = @transform_6, window_bounds = array<i64: 256, 1024>}]} {
    %mul3A = arith.constant 256 : i32
    %mul3A_0 = arith.muli %arg0, %mul3A : i32
    %iota3A = tpu.iota {dimensions = array<i32: 0>} : vector<256x1024xi32>
    %add3A = vector.broadcast %mul3A_0 : i32 to vector<256x1024xi32>
    %add3A_1 = arith.addi %add3A, %iota3A : vector<256x1024xi32>
    %mul3A_2 = arith.constant 1024 : i32
    %mul3A_3 = arith.muli %arg1, %mul3A_2 : i32
    %iota3A_4 = tpu.iota {dimensions = array<i32: 1>} : vector<256x1024xi32>
    %add3A_5 = vector.broadcast %mul3A_3 : i32 to vector<256x1024xi32>
    %add3A_6 = arith.addi %add3A_5, %iota3A_4 : vector<256x1024xi32>
    %get3A = arith.constant 0 : index
    %get3A_7 = arith.constant 0 : index
    %get3A_8 = vector.load %arg2[%get3A, %get3A_7] : memref<256x1024xi32, #tpu.memory_space<vmem>>, vector<256x1024xi32>
    %gt3A = arith.constant 0 : i32
    %gt3A_9 = vector.broadcast %gt3A : i32 to vector<256x1024xi32>
    %gt3A_10 = arith.cmpi sgt, %get3A_8, %gt3A_9 : vector<256x1024xi32>
    %eq3A = arith.cmpi eq, %add3A_1, %add3A_6 : vector<256x1024xi32>
    %or3A = arith.ori %gt3A_10, %eq3A : vector<256x1024xi1>
    %jit3A = arith.constant 1.000000e+00 : f32
    %jit3A_11 = arith.constant 0.000000e+00 : f32
    %broadcast_in_dim3A = vector.broadcast %jit3A : f32 to vector<256x1024xf32>
    %broadcast_in_dim3A_12 = vector.broadcast %jit3A_11 : f32 to vector<256x1024xf32>
    %select_n3A = arith.select %or3A, %broadcast_in_dim3A, %broadcast_in_dim3A_12 : vector<256x1024xi1>, vector<256x1024xf32>
    %convert_element_type3A = arith.fptosi %select_n3A : vector<256x1024xf32> to vector<256x1024xi8>
    %swap3A = arith.constant 0 : index
    %swap3A_13 = arith.constant 0 : index
    %swap3A_14 = vector.load %arg8[%swap3A, %swap3A_13] : memref<256x1024xi8, #tpu.memory_space<vmem>>, vector<256x1024xi8>
    tpu.vector_store %arg8[%swap3A, %swap3A_13], %convert_element_type3A {strides = array<i32>} : memref<256x1024xi8, #tpu.memory_space<vmem>>, vector<256x1024xi8>,
    %eq3A_15 = arith.constant 0 : i32
    %eq3A_16 = arith.cmpi eq, %arg1, %eq3A_15 : i32
    %convert_element_type3A_17 = arith.extui %eq3A_16 : i1 to i32
    %cond3A = arith.constant 0 : i32
    %cond3A_18 = arith.cmpi ne, %convert_element_type3A_17, %cond3A : i32
    scf.if %cond3A_18 {
      %broadcast_in_dim3A_207 = arith.constant 0.000000e+00 : f32
      %broadcast_in_dim3A_208 = vector.broadcast %broadcast_in_dim3A_207 : f32 to vector<256x128xf32>
      %swap3A_209 = arith.constant 0 : index
      %swap3A_210 = arith.constant 0 : index
      %swap3A_211 = vector.load %arg9[%swap3A_209, %swap3A_210] : memref<256x128xf32, #tpu.memory_space<vmem>>, vector<256x128xf32>
      tpu.vector_store %arg9[%swap3A_209, %swap3A_210], %broadcast_in_dim3A_208 {strides = array<i32>} : memref<256x128xf32, #tpu.memory_space<vmem>>, vector<256x128xf32>,
      %broadcast_in_dim3A_212 = arith.constant 0.000000e+00 : f32
      %broadcast_in_dim3A_213 = vector.broadcast %broadcast_in_dim3A_212 : f32 to vector<256x8xf32>
      %swap3A_214 = arith.constant 0 : index
      %swap3A_215 = arith.constant 0 : index
      %swap3A_216 = vector.load %arg10[%swap3A_214, %swap3A_215] : memref<256x8xf32, #tpu.memory_space<vmem>>, vector<256x8xf32>
      tpu.vector_store %arg10[%swap3A_214, %swap3A_215], %broadcast_in_dim3A_213 {strides = array<i32>} : memref<256x8xf32, #tpu.memory_space<vmem>>, vector<256x8xf32>,
    } else {
    }
    %get3A_19 = arith.constant 0 : index
    %get3A_20 = arith.constant 0 : index
    %get3A_21 = vector.load %arg3[%get3A_19, %get3A_20] : memref<256x8xf32, #tpu.memory_space<vmem>>, vector<256x1xf32>
    %get3A_22 = arith.constant 0 : index
    %get3A_23 = arith.constant 4 : index
    %get3A_24 = vector.load %arg3[%get3A_22, %get3A_23] : memref<256x8xf32, #tpu.memory_space<vmem>>, vector<256x1xf32>
    %get3A_25 = arith.constant 0 : index
    %get3A_26 = arith.constant 0 : index
    %get3A_27 = vector.load %arg4[%get3A_25, %get3A_26] : memref<8x1024xf32, #tpu.memory_space<vmem>>, vector<1x1024xf32>
    %add3A_28 = vector.broadcast %get3A_21 : vector<256x1xf32> to vector<256x1024xf32>
    %add3A_29 = vector.broadcast %get3A_27 : vector<1x1024xf32> to vector<256x1024xf32>
    %add3A_30 = arith.addf %add3A_28, %add3A_29 : vector<256x1024xf32>
    %ge3A = arith.constant 0.000000e+00 : f32
    %ge3A_31 = vector.broadcast %ge3A : f32 to vector<256x1024xf32>
    %ge3A_32 = arith.cmpf oge, %add3A_30, %ge3A_31 : vector<256x1024xf32>
    %mul3A_33 = arith.constant 2.000000e-01 : f32
    %mul3A_34 = vector.broadcast %mul3A_33 : f32 to vector<256x1024xf32>
    %mul3A_35 = arith.mulf %mul3A_34, %add3A_30 : vector<256x1024xf32>
    %select_n3A_36 = arith.select %ge3A_32, %add3A_30, %mul3A_35 : vector<256x1024xi1>, vector<256x1024xf32>
    %sub3A = vector.broadcast %get3A_24 : vector<256x1xf32> to vector<256x1024xf32>
    %sub3A_37 = arith.subf %select_n3A_36, %sub3A : vector<256x1024xf32>
    %exp3A = math.exp %sub3A_37 : vector<256x1024xf32>
    %mul3A_38 = arith.mulf %exp3A, %select_n3A : vector<256x1024xf32>
    %mul3A_39 = arith.constant 1024 : i32
    %mul3A_40 = arith.muli %arg1, %mul3A_39 : i32
    %get3A_41 = arith.index_cast %mul3A_40 : i32 to index
    %get3A_42 = arith.constant 0 : index
    %get3A_43 = vector.load %arg5[%get3A_41, %get3A_42] : memref<4096x128xf32, #tpu.memory_space<vmem>>, vector<1024x32xf32>
    %get3A_44 = arith.constant 0 : index
    %get3A_45 = arith.constant 0 : index
    %get3A_46 = vector.load %arg9[%get3A_44, %get3A_45] : memref<256x128xf32, #tpu.memory_space<vmem>>, vector<256x32xf32>
    %dot_general3A = arith.constant dense<0.000000e+00> : vector<256x32xf32>
    %dot_general3A_47 = tpu.matmul %mul3A_38, %get3A_43, %dot_general3A {dimension_numbers = #tpu.dot_dimension_numbers<[1], [0], [0], [1], [0, 0, 1, 1], [], []>, transpose_lhs_hint = false} : vector<256x1024xf32>, vector<1024x32xf32>, vector<256x32xf32> -> vector<256x32xf32>
    %add3A_48 = arith.addf %get3A_46, %dot_general3A_47 : vector<256x32xf32>
    %swap3A_49 = arith.constant 0 : index
    %swap3A_50 = arith.constant 0 : index
    %swap3A_51 = vector.load %arg9[%swap3A_49, %swap3A_50] : memref<256x128xf32, #tpu.memory_space<vmem>>, vector<256x32xf32>
    tpu.vector_store %arg9[%swap3A_49, %swap3A_50], %add3A_48 {strides = array<i32>} : memref<256x128xf32, #tpu.memory_space<vmem>>, vector<256x32xf32>,
    %get3A_52 = arith.constant 0 : index
    %get3A_53 = arith.constant 0 : index
    %get3A_54 = vector.load %arg10[%get3A_52, %get3A_53] : memref<256x8xf32, #tpu.memory_space<vmem>>, vector<256x1xf32>
    %reduce_sum3A = arith.constant dense<0.000000e+00> : vector<256xf32>
    %reduce_sum3A_55 = vector.multi_reduction <add>, %mul3A_38, %reduce_sum3A [1] : vector<256x1024xf32> to vector<256xf32>
    %broadcast_in_dim3A_56 = vector.shape_cast %reduce_sum3A_55 : vector<256xf32> to vector<256x1xf32>
    %add3A_57 = arith.addf %get3A_54, %broadcast_in_dim3A_56 : vector<256x1xf32>
    %swap3A_58 = arith.constant 0 : index
    %swap3A_59 = arith.constant 0 : index
    %swap3A_60 = vector.load %arg10[%swap3A_58, %swap3A_59] : memref<256x8xf32, #tpu.memory_space<vmem>>, vector<256x1xf32>
    tpu.vector_store %arg10[%swap3A_58, %swap3A_59], %add3A_57 {strides = array<i32>} : memref<256x8xf32, #tpu.memory_space<vmem>>, vector<256x1xf32>,
    %get3A_61 = arith.constant 0 : index
    %get3A_62 = arith.constant 1 : index
    %get3A_63 = vector.load %arg3[%get3A_61, %get3A_62] : memref<256x8xf32, #tpu.memory_space<vmem>>, vector<256x1xf32>
    %get3A_64 = arith.constant 0 : index
    %get3A_65 = arith.constant 5 : index
    %get3A_66 = vector.load %arg3[%get3A_64, %get3A_65] : memref<256x8xf32, #tpu.memory_space<vmem>>, vector<256x1xf32>
    %get3A_67 = arith.constant 1 : index
    %get3A_68 = arith.constant 0 : index
    %get3A_69 = vector.load %arg4[%get3A_67, %get3A_68] : memref<8x1024xf32, #tpu.memory_space<vmem>>, vector<1x1024xf32>
    %add3A_70 = vector.broadcast %get3A_63 : vector<256x1xf32> to vector<256x1024xf32>
    %add3A_71 = vector.broadcast %get3A_69 : vector<1x1024xf32> to vector<256x1024xf32>
    %add3A_72 = arith.addf %add3A_70, %add3A_71 : vector<256x1024xf32>
    %ge3A_73 = arith.constant 0.000000e+00 : f32
    %ge3A_74 = vector.broadcast %ge3A_73 : f32 to vector<256x1024xf32>
    %ge3A_75 = arith.cmpf oge, %add3A_72, %ge3A_74 : vector<256x1024xf32>
    %mul3A_76 = arith.constant 2.000000e-01 : f32
    %mul3A_77 = vector.broadcast %mul3A_76 : f32 to vector<256x1024xf32>
    %mul3A_78 = arith.mulf %mul3A_77, %add3A_72 : vector<256x1024xf32>
    %select_n3A_79 = arith.select %ge3A_75, %add3A_72, %mul3A_78 : vector<256x1024xi1>, vector<256x1024xf32>
    %sub3A_80 = vector.broadcast %get3A_66 : vector<256x1xf32> to vector<256x1024xf32>
    %sub3A_81 = arith.subf %select_n3A_79, %sub3A_80 : vector<256x1024xf32>
    %exp3A_82 = math.exp %sub3A_81 : vector<256x1024xf32>
    %mul3A_83 = arith.mulf %exp3A_82, %select_n3A : vector<256x1024xf32>
    %mul3A_84 = arith.constant 1024 : i32
    %mul3A_85 = arith.muli %arg1, %mul3A_84 : i32
    %get3A_86 = arith.index_cast %mul3A_85 : i32 to index
    %get3A_87 = arith.constant 32 : index
    %get3A_88 = vector.load %arg5[%get3A_86, %get3A_87] : memref<4096x128xf32, #tpu.memory_space<vmem>>, vector<1024x32xf32>
    %get3A_89 = arith.constant 0 : index
    %get3A_90 = arith.constant 32 : index
    %get3A_91 = vector.load %arg9[%get3A_89, %get3A_90] : memref<256x128xf32, #tpu.memory_space<vmem>>, vector<256x32xf32>
    %dot_general3A_92 = arith.constant dense<0.000000e+00> : vector<256x32xf32>
    %dot_general3A_93 = tpu.matmul %mul3A_83, %get3A_88, %dot_general3A_92 {dimension_numbers = #tpu.dot_dimension_numbers<[1], [0], [0], [1], [0, 0, 1, 1], [], []>, transpose_lhs_hint = false} : vector<256x1024xf32>, vector<1024x32xf32>, vector<256x32xf32> -> vector<256x32xf32>
    %add3A_94 = arith.addf %get3A_91, %dot_general3A_93 : vector<256x32xf32>
    %swap3A_95 = arith.constant 0 : index
    %swap3A_96 = arith.constant 32 : index
    %swap3A_97 = vector.load %arg9[%swap3A_95, %swap3A_96] : memref<256x128xf32, #tpu.memory_space<vmem>>, vector<256x32xf32>
    tpu.vector_store %arg9[%swap3A_95, %swap3A_96], %add3A_94 {strides = array<i32>} : memref<256x128xf32, #tpu.memory_space<vmem>>, vector<256x32xf32>,
    %get3A_98 = arith.constant 0 : index
    %get3A_99 = arith.constant 1 : index
    %get3A_100 = vector.load %arg10[%get3A_98, %get3A_99] : memref<256x8xf32, #tpu.memory_space<vmem>>, vector<256x1xf32>
    %reduce_sum3A_101 = arith.constant dense<0.000000e+00> : vector<256xf32>
    %reduce_sum3A_102 = vector.multi_reduction <add>, %mul3A_83, %reduce_sum3A_101 [1] : vector<256x1024xf32> to vector<256xf32>
    %broadcast_in_dim3A_103 = vector.shape_cast %reduce_sum3A_102 : vector<256xf32> to vector<256x1xf32>
    %add3A_104 = arith.addf %get3A_100, %broadcast_in_dim3A_103 : vector<256x1xf32>
    %swap3A_105 = arith.constant 0 : index
    %swap3A_106 = arith.constant 1 : index
    %swap3A_107 = vector.load %arg10[%swap3A_105, %swap3A_106] : memref<256x8xf32, #tpu.memory_space<vmem>>, vector<256x1xf32>
    tpu.vector_store %arg10[%swap3A_105, %swap3A_106], %add3A_104 {strides = array<i32>} : memref<256x8xf32, #tpu.memory_space<vmem>>, vector<256x1xf32>,
    %get3A_108 = arith.constant 0 : index
    %get3A_109 = arith.constant 2 : index
    %get3A_110 = vector.load %arg3[%get3A_108, %get3A_109] : memref<256x8xf32, #tpu.memory_space<vmem>>, vector<256x1xf32>
    %get3A_111 = arith.constant 0 : index
    %get3A_112 = arith.constant 6 : index
    %get3A_113 = vector.load %arg3[%get3A_111, %get3A_112] : memref<256x8xf32, #tpu.memory_space<vmem>>, vector<256x1xf32>
    %get3A_114 = arith.constant 2 : index
    %get3A_115 = arith.constant 0 : index
    %get3A_116 = vector.load %arg4[%get3A_114, %get3A_115] : memref<8x1024xf32, #tpu.memory_space<vmem>>, vector<1x1024xf32>
    %add3A_117 = vector.broadcast %get3A_110 : vector<256x1xf32> to vector<256x1024xf32>
    %add3A_118 = vector.broadcast %get3A_116 : vector<1x1024xf32> to vector<256x1024xf32>
    %add3A_119 = arith.addf %add3A_117, %add3A_118 : vector<256x1024xf32>
    %ge3A_120 = arith.constant 0.000000e+00 : f32
    %ge3A_121 = vector.broadcast %ge3A_120 : f32 to vector<256x1024xf32>
    %ge3A_122 = arith.cmpf oge, %add3A_119, %ge3A_121 : vector<256x1024xf32>
    %mul3A_123 = arith.constant 2.000000e-01 : f32
    %mul3A_124 = vector.broadcast %mul3A_123 : f32 to vector<256x1024xf32>
    %mul3A_125 = arith.mulf %mul3A_124, %add3A_119 : vector<256x1024xf32>
    %select_n3A_126 = arith.select %ge3A_122, %add3A_119, %mul3A_125 : vector<256x1024xi1>, vector<256x1024xf32>
    %sub3A_127 = vector.broadcast %get3A_113 : vector<256x1xf32> to vector<256x1024xf32>
    %sub3A_128 = arith.subf %select_n3A_126, %sub3A_127 : vector<256x1024xf32>
    %exp3A_129 = math.exp %sub3A_128 : vector<256x1024xf32>
    %mul3A_130 = arith.mulf %exp3A_129, %select_n3A : vector<256x1024xf32>
    %mul3A_131 = arith.constant 1024 : i32
    %mul3A_132 = arith.muli %arg1, %mul3A_131 : i32
    %get3A_133 = arith.index_cast %mul3A_132 : i32 to index
    %get3A_134 = arith.constant 64 : index
    %get3A_135 = vector.load %arg5[%get3A_133, %get3A_134] : memref<4096x128xf32, #tpu.memory_space<vmem>>, vector<1024x32xf32>
    %get3A_136 = arith.constant 0 : index
    %get3A_137 = arith.constant 64 : index
    %get3A_138 = vector.load %arg9[%get3A_136, %get3A_137] : memref<256x128xf32, #tpu.memory_space<vmem>>, vector<256x32xf32>
    %dot_general3A_139 = arith.constant dense<0.000000e+00> : vector<256x32xf32>
    %dot_general3A_140 = tpu.matmul %mul3A_130, %get3A_135, %dot_general3A_139 {dimension_numbers = #tpu.dot_dimension_numbers<[1], [0], [0], [1], [0, 0, 1, 1], [], []>, transpose_lhs_hint = false} : vector<256x1024xf32>, vector<1024x32xf32>, vector<256x32xf32> -> vector<256x32xf32>
    %add3A_141 = arith.addf %get3A_138, %dot_general3A_140 : vector<256x32xf32>
    %swap3A_142 = arith.constant 0 : index
    %swap3A_143 = arith.constant 64 : index
    %swap3A_144 = vector.load %arg9[%swap3A_142, %swap3A_143] : memref<256x128xf32, #tpu.memory_space<vmem>>, vector<256x32xf32>
    tpu.vector_store %arg9[%swap3A_142, %swap3A_143], %add3A_141 {strides = array<i32>} : memref<256x128xf32, #tpu.memory_space<vmem>>, vector<256x32xf32>,
    %get3A_145 = arith.constant 0 : index
    %get3A_146 = arith.constant 2 : index
    %get3A_147 = vector.load %arg10[%get3A_145, %get3A_146] : memref<256x8xf32, #tpu.memory_space<vmem>>, vector<256x1xf32>
    %reduce_sum3A_148 = arith.constant dense<0.000000e+00> : vector<256xf32>
    %reduce_sum3A_149 = vector.multi_reduction <add>, %mul3A_130, %reduce_sum3A_148 [1] : vector<256x1024xf32> to vector<256xf32>
    %broadcast_in_dim3A_150 = vector.shape_cast %reduce_sum3A_149 : vector<256xf32> to vector<256x1xf32>
    %add3A_151 = arith.addf %get3A_147, %broadcast_in_dim3A_150 : vector<256x1xf32>
    %swap3A_152 = arith.constant 0 : index
    %swap3A_153 = arith.constant 2 : index
    %swap3A_154 = vector.load %arg10[%swap3A_152, %swap3A_153] : memref<256x8xf32, #tpu.memory_space<vmem>>, vector<256x1xf32>
    tpu.vector_store %arg10[%swap3A_152, %swap3A_153], %add3A_151 {strides = array<i32>} : memref<256x8xf32, #tpu.memory_space<vmem>>, vector<256x1xf32>,
    %get3A_155 = arith.constant 0 : index
    %get3A_156 = arith.constant 3 : index
    %get3A_157 = vector.load %arg3[%get3A_155, %get3A_156] : memref<256x8xf32, #tpu.memory_space<vmem>>, vector<256x1xf32>
    %get3A_158 = arith.constant 0 : index
    %get3A_159 = arith.constant 7 : index
    %get3A_160 = vector.load %arg3[%get3A_158, %get3A_159] : memref<256x8xf32, #tpu.memory_space<vmem>>, vector<256x1xf32>
    %get3A_161 = arith.constant 3 : index
    %get3A_162 = arith.constant 0 : index
    %get3A_163 = vector.load %arg4[%get3A_161, %get3A_162] : memref<8x1024xf32, #tpu.memory_space<vmem>>, vector<1x1024xf32>
    %add3A_164 = vector.broadcast %get3A_157 : vector<256x1xf32> to vector<256x1024xf32>
    %add3A_165 = vector.broadcast %get3A_163 : vector<1x1024xf32> to vector<256x1024xf32>
    %add3A_166 = arith.addf %add3A_164, %add3A_165 : vector<256x1024xf32>
    %ge3A_167 = arith.constant 0.000000e+00 : f32
    %ge3A_168 = vector.broadcast %ge3A_167 : f32 to vector<256x1024xf32>
    %ge3A_169 = arith.cmpf oge, %add3A_166, %ge3A_168 : vector<256x1024xf32>
    %mul3A_170 = arith.constant 2.000000e-01 : f32
    %mul3A_171 = vector.broadcast %mul3A_170 : f32 to vector<256x1024xf32>
    %mul3A_172 = arith.mulf %mul3A_171, %add3A_166 : vector<256x1024xf32>
    %select_n3A_173 = arith.select %ge3A_169, %add3A_166, %mul3A_172 : vector<256x1024xi1>, vector<256x1024xf32>
    %sub3A_174 = vector.broadcast %get3A_160 : vector<256x1xf32> to vector<256x1024xf32>
    %sub3A_175 = arith.subf %select_n3A_173, %sub3A_174 : vector<256x1024xf32>
    %exp3A_176 = math.exp %sub3A_175 : vector<256x1024xf32>
    %mul3A_177 = arith.mulf %exp3A_176, %select_n3A : vector<256x1024xf32>
    %mul3A_178 = arith.constant 1024 : i32
    %mul3A_179 = arith.muli %arg1, %mul3A_178 : i32
    %get3A_180 = arith.index_cast %mul3A_179 : i32 to index
    %get3A_181 = arith.constant 96 : index
    %get3A_182 = vector.load %arg5[%get3A_180, %get3A_181] : memref<4096x128xf32, #tpu.memory_space<vmem>>, vector<1024x32xf32>
    %get3A_183 = arith.constant 0 : index
    %get3A_184 = arith.constant 96 : index
    %get3A_185 = vector.load %arg9[%get3A_183, %get3A_184] : memref<256x128xf32, #tpu.memory_space<vmem>>, vector<256x32xf32>
    %dot_general3A_186 = arith.constant dense<0.000000e+00> : vector<256x32xf32>
    %dot_general3A_187 = tpu.matmul %mul3A_177, %get3A_182, %dot_general3A_186 {dimension_numbers = #tpu.dot_dimension_numbers<[1], [0], [0], [1], [0, 0, 1, 1], [], []>, transpose_lhs_hint = false} : vector<256x1024xf32>, vector<1024x32xf32>, vector<256x32xf32> -> vector<256x32xf32>
    %add3A_188 = arith.addf %get3A_185, %dot_general3A_187 : vector<256x32xf32>
    %swap3A_189 = arith.constant 0 : index
    %swap3A_190 = arith.constant 96 : index
    %swap3A_191 = vector.load %arg9[%swap3A_189, %swap3A_190] : memref<256x128xf32, #tpu.memory_space<vmem>>, vector<256x32xf32>
    tpu.vector_store %arg9[%swap3A_189, %swap3A_190], %add3A_188 {strides = array<i32>} : memref<256x128xf32, #tpu.memory_space<vmem>>, vector<256x32xf32>,
    %get3A_192 = arith.constant 0 : index
    %get3A_193 = arith.constant 3 : index
    %get3A_194 = vector.load %arg10[%get3A_192, %get3A_193] : memref<256x8xf32, #tpu.memory_space<vmem>>, vector<256x1xf32>
    %reduce_sum3A_195 = arith.constant dense<0.000000e+00> : vector<256xf32>
    %reduce_sum3A_196 = vector.multi_reduction <add>, %mul3A_177, %reduce_sum3A_195 [1] : vector<256x1024xf32> to vector<256xf32>
    %broadcast_in_dim3A_197 = vector.shape_cast %reduce_sum3A_196 : vector<256xf32> to vector<256x1xf32>
    %add3A_198 = arith.addf %get3A_194, %broadcast_in_dim3A_197 : vector<256x1xf32>
    %swap3A_199 = arith.constant 0 : index
    %swap3A_200 = arith.constant 3 : index
    %swap3A_201 = vector.load %arg10[%swap3A_199, %swap3A_200] : memref<256x8xf32, #tpu.memory_space<vmem>>, vector<256x1xf32>
    tpu.vector_store %arg10[%swap3A_199, %swap3A_200], %add3A_198 {strides = array<i32>} : memref<256x8xf32, #tpu.memory_space<vmem>>, vector<256x1xf32>,
    %eq3A_202 = arith.constant 3 : i32
    %eq3A_203 = arith.cmpi eq, %arg1, %eq3A_202 : i32
    %convert_element_type3A_204 = arith.extui %eq3A_203 : i1 to i32
    %cond3A_205 = arith.constant 0 : i32
    %cond3A_206 = arith.cmpi ne, %convert_element_type3A_204, %cond3A_205 : i32
    scf.if %cond3A_206 {
      %get3A_207 = arith.constant 0 : index
      %get3A_208 = arith.constant 0 : index
      %get3A_209 = vector.load %arg9[%get3A_207, %get3A_208] : memref<256x128xf32, #tpu.memory_space<vmem>>, vector<256x32xf32>
      %get3A_210 = arith.constant 0 : index
      %get3A_211 = arith.constant 0 : index
      %get3A_212 = vector.load %arg10[%get3A_210, %get3A_211] : memref<256x8xf32, #tpu.memory_space<vmem>>, vector<256x1xf32>
      %div3A = vector.broadcast %get3A_212 : vector<256x1xf32> to vector<256x32xf32>
      %div3A_213 = arith.divf %get3A_209, %div3A : vector<256x32xf32>
      %get3A_214 = arith.constant 0 : index
      %get3A_215 = arith.constant 0 : index
      %get3A_216 = vector.load %arg6[%get3A_214, %get3A_215] : memref<256x128xf32, #tpu.memory_space<vmem>>, vector<256x32xf32>
      %add3A_217 = arith.addf %div3A_213, %get3A_216 : vector<256x32xf32>
      %gt3A_218 = arith.constant 0.000000e+00 : f32
      %gt3A_219 = vector.broadcast %gt3A_218 : f32 to vector<256x32xf32>
      %gt3A_220 = arith.cmpf ogt, %add3A_217, %gt3A_219 : vector<256x32xf32>
      %exp3A_221 = math.exp %add3A_217 : vector<256x32xf32>
      %sub3A_222 = arith.constant 1.000000e+00 : f32
      %sub3A_223 = vector.broadcast %sub3A_222 : f32 to vector<256x32xf32>
      %sub3A_224 = arith.subf %exp3A_221, %sub3A_223 : vector<256x32xf32>
      %select_n3A_225 = arith.select %gt3A_220, %add3A_217, %sub3A_224 : vector<256x32xi1>, vector<256x32xf32>
      %swap3A_226 = arith.constant 0 : index
      %swap3A_227 = arith.constant 0 : index
      %swap3A_228 = vector.load %arg7[%swap3A_226, %swap3A_227] : memref<256x128xf32, #tpu.memory_space<vmem>>, vector<256x32xf32>
      tpu.vector_store %arg7[%swap3A_226, %swap3A_227], %select_n3A_225 {strides = array<i32>} : memref<256x128xf32, #tpu.memory_space<vmem>>, vector<256x32xf32>,
      %get3A_229 = arith.constant 0 : index
      %get3A_230 = arith.constant 32 : index
      %get3A_231 = vector.load %arg9[%get3A_229, %get3A_230] : memref<256x128xf32, #tpu.memory_space<vmem>>, vector<256x32xf32>
      %get3A_232 = arith.constant 0 : index
      %get3A_233 = arith.constant 1 : index
      %get3A_234 = vector.load %arg10[%get3A_232, %get3A_233] : memref<256x8xf32, #tpu.memory_space<vmem>>, vector<256x1xf32>
      %div3A_235 = vector.broadcast %get3A_234 : vector<256x1xf32> to vector<256x32xf32>
      %div3A_236 = arith.divf %get3A_231, %div3A_235 : vector<256x32xf32>
      %get3A_237 = arith.constant 0 : index
      %get3A_238 = arith.constant 32 : index
      %get3A_239 = vector.load %arg6[%get3A_237, %get3A_238] : memref<256x128xf32, #tpu.memory_space<vmem>>, vector<256x32xf32>
      %add3A_240 = arith.addf %div3A_236, %get3A_239 : vector<256x32xf32>
      %gt3A_241 = arith.constant 0.000000e+00 : f32
      %gt3A_242 = vector.broadcast %gt3A_241 : f32 to vector<256x32xf32>
      %gt3A_243 = arith.cmpf ogt, %add3A_240, %gt3A_242 : vector<256x32xf32>
      %exp3A_244 = math.exp %add3A_240 : vector<256x32xf32>
      %sub3A_245 = arith.constant 1.000000e+00 : f32
      %sub3A_246 = vector.broadcast %sub3A_245 : f32 to vector<256x32xf32>
      %sub3A_247 = arith.subf %exp3A_244, %sub3A_246 : vector<256x32xf32>
      %select_n3A_248 = arith.select %gt3A_243, %add3A_240, %sub3A_247 : vector<256x32xi1>, vector<256x32xf32>
      %swap3A_249 = arith.constant 0 : index
      %swap3A_250 = arith.constant 32 : index
      %swap3A_251 = vector.load %arg7[%swap3A_249, %swap3A_250] : memref<256x128xf32, #tpu.memory_space<vmem>>, vector<256x32xf32>
      tpu.vector_store %arg7[%swap3A_249, %swap3A_250], %select_n3A_248 {strides = array<i32>} : memref<256x128xf32, #tpu.memory_space<vmem>>, vector<256x32xf32>,
      %get3A_252 = arith.constant 0 : index
      %get3A_253 = arith.constant 64 : index
      %get3A_254 = vector.load %arg9[%get3A_252, %get3A_253] : memref<256x128xf32, #tpu.memory_space<vmem>>, vector<256x32xf32>
      %get3A_255 = arith.constant 0 : index
      %get3A_256 = arith.constant 2 : index
      %get3A_257 = vector.load %arg10[%get3A_255, %get3A_256] : memref<256x8xf32, #tpu.memory_space<vmem>>, vector<256x1xf32>
      %div3A_258 = vector.broadcast %get3A_257 : vector<256x1xf32> to vector<256x32xf32>
      %div3A_259 = arith.divf %get3A_254, %div3A_258 : vector<256x32xf32>
      %get3A_260 = arith.constant 0 : index
      %get3A_261 = arith.constant 64 : index
      %get3A_262 = vector.load %arg6[%get3A_260, %get3A_261] : memref<256x128xf32, #tpu.memory_space<vmem>>, vector<256x32xf32>
      %add3A_263 = arith.addf %div3A_259, %get3A_262 : vector<256x32xf32>
      %gt3A_264 = arith.constant 0.000000e+00 : f32
      %gt3A_265 = vector.broadcast %gt3A_264 : f32 to vector<256x32xf32>
      %gt3A_266 = arith.cmpf ogt, %add3A_263, %gt3A_265 : vector<256x32xf32>
      %exp3A_267 = math.exp %add3A_263 : vector<256x32xf32>
      %sub3A_268 = arith.constant 1.000000e+00 : f32
      %sub3A_269 = vector.broadcast %sub3A_268 : f32 to vector<256x32xf32>
      %sub3A_270 = arith.subf %exp3A_267, %sub3A_269 : vector<256x32xf32>
      %select_n3A_271 = arith.select %gt3A_266, %add3A_263, %sub3A_270 : vector<256x32xi1>, vector<256x32xf32>
      %swap3A_272 = arith.constant 0 : index
      %swap3A_273 = arith.constant 64 : index
      %swap3A_274 = vector.load %arg7[%swap3A_272, %swap3A_273] : memref<256x128xf32, #tpu.memory_space<vmem>>, vector<256x32xf32>
      tpu.vector_store %arg7[%swap3A_272, %swap3A_273], %select_n3A_271 {strides = array<i32>} : memref<256x128xf32, #tpu.memory_space<vmem>>, vector<256x32xf32>,
      %get3A_275 = arith.constant 0 : index
      %get3A_276 = arith.constant 96 : index
      %get3A_277 = vector.load %arg9[%get3A_275, %get3A_276] : memref<256x128xf32, #tpu.memory_space<vmem>>, vector<256x32xf32>
      %get3A_278 = arith.constant 0 : index
      %get3A_279 = arith.constant 3 : index
      %get3A_280 = vector.load %arg10[%get3A_278, %get3A_279] : memref<256x8xf32, #tpu.memory_space<vmem>>, vector<256x1xf32>
      %div3A_281 = vector.broadcast %get3A_280 : vector<256x1xf32> to vector<256x32xf32>
      %div3A_282 = arith.divf %get3A_277, %div3A_281 : vector<256x32xf32>
      %get3A_283 = arith.constant 0 : index
      %get3A_284 = arith.constant 96 : index
      %get3A_285 = vector.load %arg6[%get3A_283, %get3A_284] : memref<256x128xf32, #tpu.memory_space<vmem>>, vector<256x32xf32>
      %add3A_286 = arith.addf %div3A_282, %get3A_285 : vector<256x32xf32>
      %gt3A_287 = arith.constant 0.000000e+00 : f32
      %gt3A_288 = vector.broadcast %gt3A_287 : f32 to vector<256x32xf32>
      %gt3A_289 = arith.cmpf ogt, %add3A_286, %gt3A_288 : vector<256x32xf32>
      %exp3A_290 = math.exp %add3A_286 : vector<256x32xf32>
      %sub3A_291 = arith.constant 1.000000e+00 : f32
      %sub3A_292 = vector.broadcast %sub3A_291 : f32 to vector<256x32xf32>
      %sub3A_293 = arith.subf %exp3A_290, %sub3A_292 : vector<256x32xf32>
      %select_n3A_294 = arith.select %gt3A_289, %add3A_286, %sub3A_293 : vector<256x32xi1>, vector<256x32xf32>
      %swap3A_295 = arith.constant 0 : index
      %swap3A_296 = arith.constant 96 : index
      %swap3A_297 = vector.load %arg7[%swap3A_295, %swap3A_296] : memref<256x128xf32, #tpu.memory_space<vmem>>, vector<256x32xf32>
      tpu.vector_store %arg7[%swap3A_295, %swap3A_296], %select_n3A_294 {strides = array<i32>} : memref<256x128xf32, #tpu.memory_space<vmem>>, vector<256x32xf32>,
    } else {
    }
    return
  }
  func.func @transform_0(%arg0: i32, %arg1: i32) -> (i32, i32) {
    %c0_i32 = arith.constant 0 : i32
    return %arg0, %arg1 : i32, i32
  }
  func.func @transform_1(%arg0: i32, %arg1: i32) -> (i32, i32) {
    %c0_i32 = arith.constant 0 : i32
    %c0_i32_0 = arith.constant 0 : i32
    return %arg0, %c0_i32 : i32, i32
  }
  func.func @transform_2(%arg0: i32, %arg1: i32) -> (i32, i32) {
    %c0_i32 = arith.constant 0 : i32
    %c0_i32_0 = arith.constant 0 : i32
    return %c0_i32, %arg1 : i32, i32
  }
  func.func @transform_3(%arg0: i32, %arg1: i32) -> (i32, i32) {
    %c0_i32 = arith.constant 0 : i32
    %c0_i32_0 = arith.constant 0 : i32
    %c0_i32_1 = arith.constant 0 : i32
    return %c0_i32, %c0_i32_0 : i32, i32
  }
  func.func @transform_4(%arg0: i32, %arg1: i32) -> (i32, i32) {
    %c0_i32 = arith.constant 0 : i32
    %c0_i32_0 = arith.constant 0 : i32
    return %arg0, %c0_i32 : i32, i32
  }
  func.func @transform_5(%arg0: i32, %arg1: i32) -> (i32, i32) {
    %c0_i32 = arith.constant 0 : i32
    %c0_i32_0 = arith.constant 0 : i32
    return %arg0, %c0_i32 : i32, i32
  }
  func.func @transform_6(%arg0: i32, %arg1: i32) -> (i32, i32) {
    %c0_i32 = arith.constant 0 : i32
    return %arg0, %arg1 : i32, i32
  }
}

module attributes {stable_mosaic.version = 14 : i64} {
  func.func @body(%arg0: i32, %arg1: i32, %arg2: memref<256x1024xi8, #tpu.memory_space<vmem>>, %arg3: memref<256x8xf32, #tpu.memory_space<vmem>>, %arg4: memref<8x1024xf32, #tpu.memory_space<vmem>>, %arg5: memref<4096x128xf32, #tpu.memory_space<vmem>>, %arg6: memref<256x128xf32, #tpu.memory_space<vmem>>, %arg7: memref<256x128xf32, #tpu.memory_space<vmem>>, %arg8: memref<256x128xf32, #tpu.memory_space<vmem>>, %arg9: memref<256x8xf32, #tpu.memory_space<vmem>>) attributes {dimension_semantics = [#tpu.dimension_semantics<arbitrary>, #tpu.dimension_semantics<arbitrary>], iteration_bounds = array<i64: 16, 4>, scalar_prefetch = 0 : i64, scratch_operands = 2 : i64, tpu.core_type = #tpu.core_type<tc>, window_params = [{transform_indices = @transform_0, window_bounds = array<i64: 256, 1024>}, {transform_indices = @transform_1, window_bounds = array<i64: 256, 8>}, {transform_indices = @transform_2, window_bounds = array<i64: 8, 1024>}, {pipeline_mode = #tpu.pipeline_mode<synchronous>, transform_indices = @transform_3, window_bounds = array<i64: 4096, 128>}, {transform_indices = @transform_4, window_bounds = array<i64: 256, 128>}, {transform_indices = @transform_5, window_bounds = array<i64: 256, 128>}]} {
    %get3A = arith.constant 0 : index
    %get3A_0 = arith.constant 0 : index
    %get3A_1 = vector.load %arg2[%get3A, %get3A_0] : memref<256x1024xi8, #tpu.memory_space<vmem>>, vector<256x1024xi8>
    %convert_element_type3A = arith.sitofp %get3A_1 : vector<256x1024xi8> to vector<256x1024xf32>
    %eq3A = arith.constant 0 : i32
    %eq3A_2 = arith.cmpi eq, %arg1, %eq3A : i32
    %convert_element_type3A_3 = arith.extui %eq3A_2 : i1 to i32
    %cond3A = arith.constant 0 : i32
    %cond3A_4 = arith.cmpi ne, %convert_element_type3A_3, %cond3A : i32
    scf.if %cond3A_4 {
      %broadcast_in_dim3A_188 = arith.constant 0.000000e+00 : f32
      %broadcast_in_dim3A_189 = vector.broadcast %broadcast_in_dim3A_188 : f32 to vector<256x128xf32>
      %swap3A_190 = arith.constant 0 : index
      %swap3A_191 = arith.constant 0 : index
      %swap3A_192 = vector.load %arg8[%swap3A_190, %swap3A_191] : memref<256x128xf32, #tpu.memory_space<vmem>>, vector<256x128xf32>
      tpu.vector_store %arg8[%swap3A_190, %swap3A_191], %broadcast_in_dim3A_189 {strides = array<i32>} : memref<256x128xf32, #tpu.memory_space<vmem>>, vector<256x128xf32>,
      %broadcast_in_dim3A_193 = arith.constant 0.000000e+00 : f32
      %broadcast_in_dim3A_194 = vector.broadcast %broadcast_in_dim3A_193 : f32 to vector<256x8xf32>
      %swap3A_195 = arith.constant 0 : index
      %swap3A_196 = arith.constant 0 : index
      %swap3A_197 = vector.load %arg9[%swap3A_195, %swap3A_196] : memref<256x8xf32, #tpu.memory_space<vmem>>, vector<256x8xf32>
      tpu.vector_store %arg9[%swap3A_195, %swap3A_196], %broadcast_in_dim3A_194 {strides = array<i32>} : memref<256x8xf32, #tpu.memory_space<vmem>>, vector<256x8xf32>,
    } else {
    }
    %get3A_5 = arith.constant 0 : index
    %get3A_6 = arith.constant 0 : index
    %get3A_7 = vector.load %arg3[%get3A_5, %get3A_6] : memref<256x8xf32, #tpu.memory_space<vmem>>, vector<256x1xf32>
    %get3A_8 = arith.constant 0 : index
    %get3A_9 = arith.constant 4 : index
    %get3A_10 = vector.load %arg3[%get3A_8, %get3A_9] : memref<256x8xf32, #tpu.memory_space<vmem>>, vector<256x1xf32>
    %get3A_11 = arith.constant 0 : index
    %get3A_12 = arith.constant 0 : index
    %get3A_13 = vector.load %arg4[%get3A_11, %get3A_12] : memref<8x1024xf32, #tpu.memory_space<vmem>>, vector<1x1024xf32>
    %add3A = vector.broadcast %get3A_7 : vector<256x1xf32> to vector<256x1024xf32>
    %add3A_14 = vector.broadcast %get3A_13 : vector<1x1024xf32> to vector<256x1024xf32>
    %add3A_15 = arith.addf %add3A, %add3A_14 : vector<256x1024xf32>
    %ge3A = arith.constant 0.000000e+00 : f32
    %ge3A_16 = vector.broadcast %ge3A : f32 to vector<256x1024xf32>
    %ge3A_17 = arith.cmpf oge, %add3A_15, %ge3A_16 : vector<256x1024xf32>
    %mul3A = arith.constant 2.000000e-01 : f32
    %mul3A_18 = vector.broadcast %mul3A : f32 to vector<256x1024xf32>
    %mul3A_19 = arith.mulf %mul3A_18, %add3A_15 : vector<256x1024xf32>
    %select_n3A = arith.select %ge3A_17, %add3A_15, %mul3A_19 : vector<256x1024xi1>, vector<256x1024xf32>
    %sub3A = vector.broadcast %get3A_10 : vector<256x1xf32> to vector<256x1024xf32>
    %sub3A_20 = arith.subf %select_n3A, %sub3A : vector<256x1024xf32>
    %exp3A = math.exp %sub3A_20 : vector<256x1024xf32>
    %mul3A_21 = arith.mulf %exp3A, %convert_element_type3A : vector<256x1024xf32>
    %mul3A_22 = arith.constant 1024 : i32
    %mul3A_23 = arith.muli %arg1, %mul3A_22 : i32
    %get3A_24 = arith.index_cast %mul3A_23 : i32 to index
    %get3A_25 = arith.constant 0 : index
    %get3A_26 = vector.load %arg5[%get3A_24, %get3A_25] : memref<4096x128xf32, #tpu.memory_space<vmem>>, vector<1024x32xf32>
    %get3A_27 = arith.constant 0 : index
    %get3A_28 = arith.constant 0 : index
    %get3A_29 = vector.load %arg8[%get3A_27, %get3A_28] : memref<256x128xf32, #tpu.memory_space<vmem>>, vector<256x32xf32>
    %dot_general3A = arith.constant dense<0.000000e+00> : vector<256x32xf32>
    %dot_general3A_30 = tpu.matmul %mul3A_21, %get3A_26, %dot_general3A {dimension_numbers = #tpu.dot_dimension_numbers<[1], [0], [0], [1], [0, 0, 1, 1], [], []>, transpose_lhs_hint = false} : vector<256x1024xf32>, vector<1024x32xf32>, vector<256x32xf32> -> vector<256x32xf32>
    %add3A_31 = arith.addf %get3A_29, %dot_general3A_30 : vector<256x32xf32>
    %swap3A = arith.constant 0 : index
    %swap3A_32 = arith.constant 0 : index
    %swap3A_33 = vector.load %arg8[%swap3A, %swap3A_32] : memref<256x128xf32, #tpu.memory_space<vmem>>, vector<256x32xf32>
    tpu.vector_store %arg8[%swap3A, %swap3A_32], %add3A_31 {strides = array<i32>} : memref<256x128xf32, #tpu.memory_space<vmem>>, vector<256x32xf32>,
    %get3A_34 = arith.constant 0 : index
    %get3A_35 = arith.constant 0 : index
    %get3A_36 = vector.load %arg9[%get3A_34, %get3A_35] : memref<256x8xf32, #tpu.memory_space<vmem>>, vector<256x1xf32>
    %reduce_sum3A = arith.constant dense<0.000000e+00> : vector<256xf32>
    %reduce_sum3A_37 = vector.multi_reduction <add>, %mul3A_21, %reduce_sum3A [1] : vector<256x1024xf32> to vector<256xf32>
    %broadcast_in_dim3A = vector.shape_cast %reduce_sum3A_37 : vector<256xf32> to vector<256x1xf32>
    %add3A_38 = arith.addf %get3A_36, %broadcast_in_dim3A : vector<256x1xf32>
    %swap3A_39 = arith.constant 0 : index
    %swap3A_40 = arith.constant 0 : index
    %swap3A_41 = vector.load %arg9[%swap3A_39, %swap3A_40] : memref<256x8xf32, #tpu.memory_space<vmem>>, vector<256x1xf32>
    tpu.vector_store %arg9[%swap3A_39, %swap3A_40], %add3A_38 {strides = array<i32>} : memref<256x8xf32, #tpu.memory_space<vmem>>, vector<256x1xf32>,
    %get3A_42 = arith.constant 0 : index
    %get3A_43 = arith.constant 1 : index
    %get3A_44 = vector.load %arg3[%get3A_42, %get3A_43] : memref<256x8xf32, #tpu.memory_space<vmem>>, vector<256x1xf32>
    %get3A_45 = arith.constant 0 : index
    %get3A_46 = arith.constant 5 : index
    %get3A_47 = vector.load %arg3[%get3A_45, %get3A_46] : memref<256x8xf32, #tpu.memory_space<vmem>>, vector<256x1xf32>
    %get3A_48 = arith.constant 1 : index
    %get3A_49 = arith.constant 0 : index
    %get3A_50 = vector.load %arg4[%get3A_48, %get3A_49] : memref<8x1024xf32, #tpu.memory_space<vmem>>, vector<1x1024xf32>
    %add3A_51 = vector.broadcast %get3A_44 : vector<256x1xf32> to vector<256x1024xf32>
    %add3A_52 = vector.broadcast %get3A_50 : vector<1x1024xf32> to vector<256x1024xf32>
    %add3A_53 = arith.addf %add3A_51, %add3A_52 : vector<256x1024xf32>
    %ge3A_54 = arith.constant 0.000000e+00 : f32
    %ge3A_55 = vector.broadcast %ge3A_54 : f32 to vector<256x1024xf32>
    %ge3A_56 = arith.cmpf oge, %add3A_53, %ge3A_55 : vector<256x1024xf32>
    %mul3A_57 = arith.constant 2.000000e-01 : f32
    %mul3A_58 = vector.broadcast %mul3A_57 : f32 to vector<256x1024xf32>
    %mul3A_59 = arith.mulf %mul3A_58, %add3A_53 : vector<256x1024xf32>
    %select_n3A_60 = arith.select %ge3A_56, %add3A_53, %mul3A_59 : vector<256x1024xi1>, vector<256x1024xf32>
    %sub3A_61 = vector.broadcast %get3A_47 : vector<256x1xf32> to vector<256x1024xf32>
    %sub3A_62 = arith.subf %select_n3A_60, %sub3A_61 : vector<256x1024xf32>
    %exp3A_63 = math.exp %sub3A_62 : vector<256x1024xf32>
    %mul3A_64 = arith.mulf %exp3A_63, %convert_element_type3A : vector<256x1024xf32>
    %mul3A_65 = arith.constant 1024 : i32
    %mul3A_66 = arith.muli %arg1, %mul3A_65 : i32
    %get3A_67 = arith.index_cast %mul3A_66 : i32 to index
    %get3A_68 = arith.constant 32 : index
    %get3A_69 = vector.load %arg5[%get3A_67, %get3A_68] : memref<4096x128xf32, #tpu.memory_space<vmem>>, vector<1024x32xf32>
    %get3A_70 = arith.constant 0 : index
    %get3A_71 = arith.constant 32 : index
    %get3A_72 = vector.load %arg8[%get3A_70, %get3A_71] : memref<256x128xf32, #tpu.memory_space<vmem>>, vector<256x32xf32>
    %dot_general3A_73 = arith.constant dense<0.000000e+00> : vector<256x32xf32>
    %dot_general3A_74 = tpu.matmul %mul3A_64, %get3A_69, %dot_general3A_73 {dimension_numbers = #tpu.dot_dimension_numbers<[1], [0], [0], [1], [0, 0, 1, 1], [], []>, transpose_lhs_hint = false} : vector<256x1024xf32>, vector<1024x32xf32>, vector<256x32xf32> -> vector<256x32xf32>
    %add3A_75 = arith.addf %get3A_72, %dot_general3A_74 : vector<256x32xf32>
    %swap3A_76 = arith.constant 0 : index
    %swap3A_77 = arith.constant 32 : index
    %swap3A_78 = vector.load %arg8[%swap3A_76, %swap3A_77] : memref<256x128xf32, #tpu.memory_space<vmem>>, vector<256x32xf32>
    tpu.vector_store %arg8[%swap3A_76, %swap3A_77], %add3A_75 {strides = array<i32>} : memref<256x128xf32, #tpu.memory_space<vmem>>, vector<256x32xf32>,
    %get3A_79 = arith.constant 0 : index
    %get3A_80 = arith.constant 1 : index
    %get3A_81 = vector.load %arg9[%get3A_79, %get3A_80] : memref<256x8xf32, #tpu.memory_space<vmem>>, vector<256x1xf32>
    %reduce_sum3A_82 = arith.constant dense<0.000000e+00> : vector<256xf32>
    %reduce_sum3A_83 = vector.multi_reduction <add>, %mul3A_64, %reduce_sum3A_82 [1] : vector<256x1024xf32> to vector<256xf32>
    %broadcast_in_dim3A_84 = vector.shape_cast %reduce_sum3A_83 : vector<256xf32> to vector<256x1xf32>
    %add3A_85 = arith.addf %get3A_81, %broadcast_in_dim3A_84 : vector<256x1xf32>
    %swap3A_86 = arith.constant 0 : index
    %swap3A_87 = arith.constant 1 : index
    %swap3A_88 = vector.load %arg9[%swap3A_86, %swap3A_87] : memref<256x8xf32, #tpu.memory_space<vmem>>, vector<256x1xf32>
    tpu.vector_store %arg9[%swap3A_86, %swap3A_87], %add3A_85 {strides = array<i32>} : memref<256x8xf32, #tpu.memory_space<vmem>>, vector<256x1xf32>,
    %get3A_89 = arith.constant 0 : index
    %get3A_90 = arith.constant 2 : index
    %get3A_91 = vector.load %arg3[%get3A_89, %get3A_90] : memref<256x8xf32, #tpu.memory_space<vmem>>, vector<256x1xf32>
    %get3A_92 = arith.constant 0 : index
    %get3A_93 = arith.constant 6 : index
    %get3A_94 = vector.load %arg3[%get3A_92, %get3A_93] : memref<256x8xf32, #tpu.memory_space<vmem>>, vector<256x1xf32>
    %get3A_95 = arith.constant 2 : index
    %get3A_96 = arith.constant 0 : index
    %get3A_97 = vector.load %arg4[%get3A_95, %get3A_96] : memref<8x1024xf32, #tpu.memory_space<vmem>>, vector<1x1024xf32>
    %add3A_98 = vector.broadcast %get3A_91 : vector<256x1xf32> to vector<256x1024xf32>
    %add3A_99 = vector.broadcast %get3A_97 : vector<1x1024xf32> to vector<256x1024xf32>
    %add3A_100 = arith.addf %add3A_98, %add3A_99 : vector<256x1024xf32>
    %ge3A_101 = arith.constant 0.000000e+00 : f32
    %ge3A_102 = vector.broadcast %ge3A_101 : f32 to vector<256x1024xf32>
    %ge3A_103 = arith.cmpf oge, %add3A_100, %ge3A_102 : vector<256x1024xf32>
    %mul3A_104 = arith.constant 2.000000e-01 : f32
    %mul3A_105 = vector.broadcast %mul3A_104 : f32 to vector<256x1024xf32>
    %mul3A_106 = arith.mulf %mul3A_105, %add3A_100 : vector<256x1024xf32>
    %select_n3A_107 = arith.select %ge3A_103, %add3A_100, %mul3A_106 : vector<256x1024xi1>, vector<256x1024xf32>
    %sub3A_108 = vector.broadcast %get3A_94 : vector<256x1xf32> to vector<256x1024xf32>
    %sub3A_109 = arith.subf %select_n3A_107, %sub3A_108 : vector<256x1024xf32>
    %exp3A_110 = math.exp %sub3A_109 : vector<256x1024xf32>
    %mul3A_111 = arith.mulf %exp3A_110, %convert_element_type3A : vector<256x1024xf32>
    %mul3A_112 = arith.constant 1024 : i32
    %mul3A_113 = arith.muli %arg1, %mul3A_112 : i32
    %get3A_114 = arith.index_cast %mul3A_113 : i32 to index
    %get3A_115 = arith.constant 64 : index
    %get3A_116 = vector.load %arg5[%get3A_114, %get3A_115] : memref<4096x128xf32, #tpu.memory_space<vmem>>, vector<1024x32xf32>
    %get3A_117 = arith.constant 0 : index
    %get3A_118 = arith.constant 64 : index
    %get3A_119 = vector.load %arg8[%get3A_117, %get3A_118] : memref<256x128xf32, #tpu.memory_space<vmem>>, vector<256x32xf32>
    %dot_general3A_120 = arith.constant dense<0.000000e+00> : vector<256x32xf32>
    %dot_general3A_121 = tpu.matmul %mul3A_111, %get3A_116, %dot_general3A_120 {dimension_numbers = #tpu.dot_dimension_numbers<[1], [0], [0], [1], [0, 0, 1, 1], [], []>, transpose_lhs_hint = false} : vector<256x1024xf32>, vector<1024x32xf32>, vector<256x32xf32> -> vector<256x32xf32>
    %add3A_122 = arith.addf %get3A_119, %dot_general3A_121 : vector<256x32xf32>
    %swap3A_123 = arith.constant 0 : index
    %swap3A_124 = arith.constant 64 : index
    %swap3A_125 = vector.load %arg8[%swap3A_123, %swap3A_124] : memref<256x128xf32, #tpu.memory_space<vmem>>, vector<256x32xf32>
    tpu.vector_store %arg8[%swap3A_123, %swap3A_124], %add3A_122 {strides = array<i32>} : memref<256x128xf32, #tpu.memory_space<vmem>>, vector<256x32xf32>,
    %get3A_126 = arith.constant 0 : index
    %get3A_127 = arith.constant 2 : index
    %get3A_128 = vector.load %arg9[%get3A_126, %get3A_127] : memref<256x8xf32, #tpu.memory_space<vmem>>, vector<256x1xf32>
    %reduce_sum3A_129 = arith.constant dense<0.000000e+00> : vector<256xf32>
    %reduce_sum3A_130 = vector.multi_reduction <add>, %mul3A_111, %reduce_sum3A_129 [1] : vector<256x1024xf32> to vector<256xf32>
    %broadcast_in_dim3A_131 = vector.shape_cast %reduce_sum3A_130 : vector<256xf32> to vector<256x1xf32>
    %add3A_132 = arith.addf %get3A_128, %broadcast_in_dim3A_131 : vector<256x1xf32>
    %swap3A_133 = arith.constant 0 : index
    %swap3A_134 = arith.constant 2 : index
    %swap3A_135 = vector.load %arg9[%swap3A_133, %swap3A_134] : memref<256x8xf32, #tpu.memory_space<vmem>>, vector<256x1xf32>
    tpu.vector_store %arg9[%swap3A_133, %swap3A_134], %add3A_132 {strides = array<i32>} : memref<256x8xf32, #tpu.memory_space<vmem>>, vector<256x1xf32>,
    %get3A_136 = arith.constant 0 : index
    %get3A_137 = arith.constant 3 : index
    %get3A_138 = vector.load %arg3[%get3A_136, %get3A_137] : memref<256x8xf32, #tpu.memory_space<vmem>>, vector<256x1xf32>
    %get3A_139 = arith.constant 0 : index
    %get3A_140 = arith.constant 7 : index
    %get3A_141 = vector.load %arg3[%get3A_139, %get3A_140] : memref<256x8xf32, #tpu.memory_space<vmem>>, vector<256x1xf32>
    %get3A_142 = arith.constant 3 : index
    %get3A_143 = arith.constant 0 : index
    %get3A_144 = vector.load %arg4[%get3A_142, %get3A_143] : memref<8x1024xf32, #tpu.memory_space<vmem>>, vector<1x1024xf32>
    %add3A_145 = vector.broadcast %get3A_138 : vector<256x1xf32> to vector<256x1024xf32>
    %add3A_146 = vector.broadcast %get3A_144 : vector<1x1024xf32> to vector<256x1024xf32>
    %add3A_147 = arith.addf %add3A_145, %add3A_146 : vector<256x1024xf32>
    %ge3A_148 = arith.constant 0.000000e+00 : f32
    %ge3A_149 = vector.broadcast %ge3A_148 : f32 to vector<256x1024xf32>
    %ge3A_150 = arith.cmpf oge, %add3A_147, %ge3A_149 : vector<256x1024xf32>
    %mul3A_151 = arith.constant 2.000000e-01 : f32
    %mul3A_152 = vector.broadcast %mul3A_151 : f32 to vector<256x1024xf32>
    %mul3A_153 = arith.mulf %mul3A_152, %add3A_147 : vector<256x1024xf32>
    %select_n3A_154 = arith.select %ge3A_150, %add3A_147, %mul3A_153 : vector<256x1024xi1>, vector<256x1024xf32>
    %sub3A_155 = vector.broadcast %get3A_141 : vector<256x1xf32> to vector<256x1024xf32>
    %sub3A_156 = arith.subf %select_n3A_154, %sub3A_155 : vector<256x1024xf32>
    %exp3A_157 = math.exp %sub3A_156 : vector<256x1024xf32>
    %mul3A_158 = arith.mulf %exp3A_157, %convert_element_type3A : vector<256x1024xf32>
    %mul3A_159 = arith.constant 1024 : i32
    %mul3A_160 = arith.muli %arg1, %mul3A_159 : i32
    %get3A_161 = arith.index_cast %mul3A_160 : i32 to index
    %get3A_162 = arith.constant 96 : index
    %get3A_163 = vector.load %arg5[%get3A_161, %get3A_162] : memref<4096x128xf32, #tpu.memory_space<vmem>>, vector<1024x32xf32>
    %get3A_164 = arith.constant 0 : index
    %get3A_165 = arith.constant 96 : index
    %get3A_166 = vector.load %arg8[%get3A_164, %get3A_165] : memref<256x128xf32, #tpu.memory_space<vmem>>, vector<256x32xf32>
    %dot_general3A_167 = arith.constant dense<0.000000e+00> : vector<256x32xf32>
    %dot_general3A_168 = tpu.matmul %mul3A_158, %get3A_163, %dot_general3A_167 {dimension_numbers = #tpu.dot_dimension_numbers<[1], [0], [0], [1], [0, 0, 1, 1], [], []>, transpose_lhs_hint = false} : vector<256x1024xf32>, vector<1024x32xf32>, vector<256x32xf32> -> vector<256x32xf32>
    %add3A_169 = arith.addf %get3A_166, %dot_general3A_168 : vector<256x32xf32>
    %swap3A_170 = arith.constant 0 : index
    %swap3A_171 = arith.constant 96 : index
    %swap3A_172 = vector.load %arg8[%swap3A_170, %swap3A_171] : memref<256x128xf32, #tpu.memory_space<vmem>>, vector<256x32xf32>
    tpu.vector_store %arg8[%swap3A_170, %swap3A_171], %add3A_169 {strides = array<i32>} : memref<256x128xf32, #tpu.memory_space<vmem>>, vector<256x32xf32>,
    %get3A_173 = arith.constant 0 : index
    %get3A_174 = arith.constant 3 : index
    %get3A_175 = vector.load %arg9[%get3A_173, %get3A_174] : memref<256x8xf32, #tpu.memory_space<vmem>>, vector<256x1xf32>
    %reduce_sum3A_176 = arith.constant dense<0.000000e+00> : vector<256xf32>
    %reduce_sum3A_177 = vector.multi_reduction <add>, %mul3A_158, %reduce_sum3A_176 [1] : vector<256x1024xf32> to vector<256xf32>
    %broadcast_in_dim3A_178 = vector.shape_cast %reduce_sum3A_177 : vector<256xf32> to vector<256x1xf32>
    %add3A_179 = arith.addf %get3A_175, %broadcast_in_dim3A_178 : vector<256x1xf32>
    %swap3A_180 = arith.constant 0 : index
    %swap3A_181 = arith.constant 3 : index
    %swap3A_182 = vector.load %arg9[%swap3A_180, %swap3A_181] : memref<256x8xf32, #tpu.memory_space<vmem>>, vector<256x1xf32>
    tpu.vector_store %arg9[%swap3A_180, %swap3A_181], %add3A_179 {strides = array<i32>} : memref<256x8xf32, #tpu.memory_space<vmem>>, vector<256x1xf32>,
    %eq3A_183 = arith.constant 3 : i32
    %eq3A_184 = arith.cmpi eq, %arg1, %eq3A_183 : i32
    %convert_element_type3A_185 = arith.extui %eq3A_184 : i1 to i32
    %cond3A_186 = arith.constant 0 : i32
    %cond3A_187 = arith.cmpi ne, %convert_element_type3A_185, %cond3A_186 : i32
    scf.if %cond3A_187 {
      %get3A_188 = arith.constant 0 : index
      %get3A_189 = arith.constant 0 : index
      %get3A_190 = vector.load %arg8[%get3A_188, %get3A_189] : memref<256x128xf32, #tpu.memory_space<vmem>>, vector<256x32xf32>
      %get3A_191 = arith.constant 0 : index
      %get3A_192 = arith.constant 0 : index
      %get3A_193 = vector.load %arg9[%get3A_191, %get3A_192] : memref<256x8xf32, #tpu.memory_space<vmem>>, vector<256x1xf32>
      %div3A = vector.broadcast %get3A_193 : vector<256x1xf32> to vector<256x32xf32>
      %div3A_194 = arith.divf %get3A_190, %div3A : vector<256x32xf32>
      %get3A_195 = arith.constant 0 : index
      %get3A_196 = arith.constant 0 : index
      %get3A_197 = vector.load %arg6[%get3A_195, %get3A_196] : memref<256x128xf32, #tpu.memory_space<vmem>>, vector<256x32xf32>
      %add3A_198 = arith.addf %div3A_194, %get3A_197 : vector<256x32xf32>
      %gt3A = arith.constant 0.000000e+00 : f32
      %gt3A_199 = vector.broadcast %gt3A : f32 to vector<256x32xf32>
      %gt3A_200 = arith.cmpf ogt, %add3A_198, %gt3A_199 : vector<256x32xf32>
      %exp3A_201 = math.exp %add3A_198 : vector<256x32xf32>
      %sub3A_202 = arith.constant 1.000000e+00 : f32
      %sub3A_203 = vector.broadcast %sub3A_202 : f32 to vector<256x32xf32>
      %sub3A_204 = arith.subf %exp3A_201, %sub3A_203 : vector<256x32xf32>
      %select_n3A_205 = arith.select %gt3A_200, %add3A_198, %sub3A_204 : vector<256x32xi1>, vector<256x32xf32>
      %swap3A_206 = arith.constant 0 : index
      %swap3A_207 = arith.constant 0 : index
      %swap3A_208 = vector.load %arg7[%swap3A_206, %swap3A_207] : memref<256x128xf32, #tpu.memory_space<vmem>>, vector<256x32xf32>
      tpu.vector_store %arg7[%swap3A_206, %swap3A_207], %select_n3A_205 {strides = array<i32>} : memref<256x128xf32, #tpu.memory_space<vmem>>, vector<256x32xf32>,
      %get3A_209 = arith.constant 0 : index
      %get3A_210 = arith.constant 32 : index
      %get3A_211 = vector.load %arg8[%get3A_209, %get3A_210] : memref<256x128xf32, #tpu.memory_space<vmem>>, vector<256x32xf32>
      %get3A_212 = arith.constant 0 : index
      %get3A_213 = arith.constant 1 : index
      %get3A_214 = vector.load %arg9[%get3A_212, %get3A_213] : memref<256x8xf32, #tpu.memory_space<vmem>>, vector<256x1xf32>
      %div3A_215 = vector.broadcast %get3A_214 : vector<256x1xf32> to vector<256x32xf32>
      %div3A_216 = arith.divf %get3A_211, %div3A_215 : vector<256x32xf32>
      %get3A_217 = arith.constant 0 : index
      %get3A_218 = arith.constant 32 : index
      %get3A_219 = vector.load %arg6[%get3A_217, %get3A_218] : memref<256x128xf32, #tpu.memory_space<vmem>>, vector<256x32xf32>
      %add3A_220 = arith.addf %div3A_216, %get3A_219 : vector<256x32xf32>
      %gt3A_221 = arith.constant 0.000000e+00 : f32
      %gt3A_222 = vector.broadcast %gt3A_221 : f32 to vector<256x32xf32>
      %gt3A_223 = arith.cmpf ogt, %add3A_220, %gt3A_222 : vector<256x32xf32>
      %exp3A_224 = math.exp %add3A_220 : vector<256x32xf32>
      %sub3A_225 = arith.constant 1.000000e+00 : f32
      %sub3A_226 = vector.broadcast %sub3A_225 : f32 to vector<256x32xf32>
      %sub3A_227 = arith.subf %exp3A_224, %sub3A_226 : vector<256x32xf32>
      %select_n3A_228 = arith.select %gt3A_223, %add3A_220, %sub3A_227 : vector<256x32xi1>, vector<256x32xf32>
      %swap3A_229 = arith.constant 0 : index
      %swap3A_230 = arith.constant 32 : index
      %swap3A_231 = vector.load %arg7[%swap3A_229, %swap3A_230] : memref<256x128xf32, #tpu.memory_space<vmem>>, vector<256x32xf32>
      tpu.vector_store %arg7[%swap3A_229, %swap3A_230], %select_n3A_228 {strides = array<i32>} : memref<256x128xf32, #tpu.memory_space<vmem>>, vector<256x32xf32>,
      %get3A_232 = arith.constant 0 : index
      %get3A_233 = arith.constant 64 : index
      %get3A_234 = vector.load %arg8[%get3A_232, %get3A_233] : memref<256x128xf32, #tpu.memory_space<vmem>>, vector<256x32xf32>
      %get3A_235 = arith.constant 0 : index
      %get3A_236 = arith.constant 2 : index
      %get3A_237 = vector.load %arg9[%get3A_235, %get3A_236] : memref<256x8xf32, #tpu.memory_space<vmem>>, vector<256x1xf32>
      %div3A_238 = vector.broadcast %get3A_237 : vector<256x1xf32> to vector<256x32xf32>
      %div3A_239 = arith.divf %get3A_234, %div3A_238 : vector<256x32xf32>
      %get3A_240 = arith.constant 0 : index
      %get3A_241 = arith.constant 64 : index
      %get3A_242 = vector.load %arg6[%get3A_240, %get3A_241] : memref<256x128xf32, #tpu.memory_space<vmem>>, vector<256x32xf32>
      %add3A_243 = arith.addf %div3A_239, %get3A_242 : vector<256x32xf32>
      %gt3A_244 = arith.constant 0.000000e+00 : f32
      %gt3A_245 = vector.broadcast %gt3A_244 : f32 to vector<256x32xf32>
      %gt3A_246 = arith.cmpf ogt, %add3A_243, %gt3A_245 : vector<256x32xf32>
      %exp3A_247 = math.exp %add3A_243 : vector<256x32xf32>
      %sub3A_248 = arith.constant 1.000000e+00 : f32
      %sub3A_249 = vector.broadcast %sub3A_248 : f32 to vector<256x32xf32>
      %sub3A_250 = arith.subf %exp3A_247, %sub3A_249 : vector<256x32xf32>
      %select_n3A_251 = arith.select %gt3A_246, %add3A_243, %sub3A_250 : vector<256x32xi1>, vector<256x32xf32>
      %swap3A_252 = arith.constant 0 : index
      %swap3A_253 = arith.constant 64 : index
      %swap3A_254 = vector.load %arg7[%swap3A_252, %swap3A_253] : memref<256x128xf32, #tpu.memory_space<vmem>>, vector<256x32xf32>
      tpu.vector_store %arg7[%swap3A_252, %swap3A_253], %select_n3A_251 {strides = array<i32>} : memref<256x128xf32, #tpu.memory_space<vmem>>, vector<256x32xf32>,
      %get3A_255 = arith.constant 0 : index
      %get3A_256 = arith.constant 96 : index
      %get3A_257 = vector.load %arg8[%get3A_255, %get3A_256] : memref<256x128xf32, #tpu.memory_space<vmem>>, vector<256x32xf32>
      %get3A_258 = arith.constant 0 : index
      %get3A_259 = arith.constant 3 : index
      %get3A_260 = vector.load %arg9[%get3A_258, %get3A_259] : memref<256x8xf32, #tpu.memory_space<vmem>>, vector<256x1xf32>
      %div3A_261 = vector.broadcast %get3A_260 : vector<256x1xf32> to vector<256x32xf32>
      %div3A_262 = arith.divf %get3A_257, %div3A_261 : vector<256x32xf32>
      %get3A_263 = arith.constant 0 : index
      %get3A_264 = arith.constant 96 : index
      %get3A_265 = vector.load %arg6[%get3A_263, %get3A_264] : memref<256x128xf32, #tpu.memory_space<vmem>>, vector<256x32xf32>
      %add3A_266 = arith.addf %div3A_262, %get3A_265 : vector<256x32xf32>
      %gt3A_267 = arith.constant 0.000000e+00 : f32
      %gt3A_268 = vector.broadcast %gt3A_267 : f32 to vector<256x32xf32>
      %gt3A_269 = arith.cmpf ogt, %add3A_266, %gt3A_268 : vector<256x32xf32>
      %exp3A_270 = math.exp %add3A_266 : vector<256x32xf32>
      %sub3A_271 = arith.constant 1.000000e+00 : f32
      %sub3A_272 = vector.broadcast %sub3A_271 : f32 to vector<256x32xf32>
      %sub3A_273 = arith.subf %exp3A_270, %sub3A_272 : vector<256x32xf32>
      %select_n3A_274 = arith.select %gt3A_269, %add3A_266, %sub3A_273 : vector<256x32xi1>, vector<256x32xf32>
      %swap3A_275 = arith.constant 0 : index
      %swap3A_276 = arith.constant 96 : index
      %swap3A_277 = vector.load %arg7[%swap3A_275, %swap3A_276] : memref<256x128xf32, #tpu.memory_space<vmem>>, vector<256x32xf32>
      tpu.vector_store %arg7[%swap3A_275, %swap3A_276], %select_n3A_274 {strides = array<i32>} : memref<256x128xf32, #tpu.memory_space<vmem>>, vector<256x32xf32>,
    } else {
    }
    return
  }
  func.func @transform_0(%arg0: i32, %arg1: i32) -> (i32, i32) {
    %c0_i32 = arith.constant 0 : i32
    return %arg0, %arg1 : i32, i32
  }
  func.func @transform_1(%arg0: i32, %arg1: i32) -> (i32, i32) {
    %c0_i32 = arith.constant 0 : i32
    %c0_i32_0 = arith.constant 0 : i32
    return %arg0, %c0_i32 : i32, i32
  }
  func.func @transform_2(%arg0: i32, %arg1: i32) -> (i32, i32) {
    %c0_i32 = arith.constant 0 : i32
    %c0_i32_0 = arith.constant 0 : i32
    return %c0_i32, %arg1 : i32, i32
  }
  func.func @transform_3(%arg0: i32, %arg1: i32) -> (i32, i32) {
    %c0_i32 = arith.constant 0 : i32
    %c0_i32_0 = arith.constant 0 : i32
    %c0_i32_1 = arith.constant 0 : i32
    return %c0_i32, %c0_i32_0 : i32, i32
  }
  func.func @transform_4(%arg0: i32, %arg1: i32) -> (i32, i32) {
    %c0_i32 = arith.constant 0 : i32
    %c0_i32_0 = arith.constant 0 : i32
    return %arg0, %c0_i32 : i32, i32
  }
  func.func @transform_5(%arg0: i32, %arg1: i32) -> (i32, i32) {
    %c0_i32 = arith.constant 0 : i32
    %c0_i32_0 = arith.constant 0 : i32
    return %arg0, %c0_i32 : i32, i32
  }
}

module attributes {stable_mosaic.version = 14 : i64} {
  func.func @body(%arg0: i32, %arg1: i32, %arg2: memref<256x1024xi8, #tpu.memory_space<vmem>>, %arg3: memref<256x8xf32, #tpu.memory_space<vmem>>, %arg4: memref<8x1024xf32, #tpu.memory_space<vmem>>, %arg5: memref<4096x128xf32, #tpu.memory_space<vmem>>, %arg6: memref<256x32xf32, #tpu.memory_space<vmem>>, %arg7: memref<256x128xf32, #tpu.memory_space<vmem>>, %arg8: memref<256x8xf32, #tpu.memory_space<vmem>>) attributes {dimension_semantics = [#tpu.dimension_semantics<arbitrary>, #tpu.dimension_semantics<arbitrary>], iteration_bounds = array<i64: 16, 4>, scalar_prefetch = 0 : i64, scratch_operands = 2 : i64, tpu.core_type = #tpu.core_type<tc>, window_params = [{transform_indices = @transform_0, window_bounds = array<i64: 256, 1024>}, {transform_indices = @transform_1, window_bounds = array<i64: 256, 8>}, {transform_indices = @transform_2, window_bounds = array<i64: 8, 1024>}, {pipeline_mode = #tpu.pipeline_mode<synchronous>, transform_indices = @transform_3, window_bounds = array<i64: 4096, 128>}, {transform_indices = @transform_4, window_bounds = array<i64: 256, 32>}]} {
    %get3A = arith.constant 0 : index
    %get3A_0 = arith.constant 0 : index
    %get3A_1 = vector.load %arg2[%get3A, %get3A_0] : memref<256x1024xi8, #tpu.memory_space<vmem>>, vector<256x1024xi8>
    %convert_element_type3A = arith.sitofp %get3A_1 : vector<256x1024xi8> to vector<256x1024xf32>
    %eq3A = arith.constant 0 : i32
    %eq3A_2 = arith.cmpi eq, %arg1, %eq3A : i32
    %convert_element_type3A_3 = arith.extui %eq3A_2 : i1 to i32
    %cond3A = arith.constant 0 : i32
    %cond3A_4 = arith.cmpi ne, %convert_element_type3A_3, %cond3A : i32
    scf.if %cond3A_4 {
      %broadcast_in_dim3A_188 = arith.constant 0.000000e+00 : f32
      %broadcast_in_dim3A_189 = vector.broadcast %broadcast_in_dim3A_188 : f32 to vector<256x128xf32>
      %swap3A_190 = arith.constant 0 : index
      %swap3A_191 = arith.constant 0 : index
      %swap3A_192 = vector.load %arg7[%swap3A_190, %swap3A_191] : memref<256x128xf32, #tpu.memory_space<vmem>>, vector<256x128xf32>
      tpu.vector_store %arg7[%swap3A_190, %swap3A_191], %broadcast_in_dim3A_189 {strides = array<i32>} : memref<256x128xf32, #tpu.memory_space<vmem>>, vector<256x128xf32>,
      %broadcast_in_dim3A_193 = arith.constant 0.000000e+00 : f32
      %broadcast_in_dim3A_194 = vector.broadcast %broadcast_in_dim3A_193 : f32 to vector<256x8xf32>
      %swap3A_195 = arith.constant 0 : index
      %swap3A_196 = arith.constant 0 : index
      %swap3A_197 = vector.load %arg8[%swap3A_195, %swap3A_196] : memref<256x8xf32, #tpu.memory_space<vmem>>, vector<256x8xf32>
      tpu.vector_store %arg8[%swap3A_195, %swap3A_196], %broadcast_in_dim3A_194 {strides = array<i32>} : memref<256x8xf32, #tpu.memory_space<vmem>>, vector<256x8xf32>,
    } else {
    }
    %get3A_5 = arith.constant 0 : index
    %get3A_6 = arith.constant 0 : index
    %get3A_7 = vector.load %arg3[%get3A_5, %get3A_6] : memref<256x8xf32, #tpu.memory_space<vmem>>, vector<256x1xf32>
    %get3A_8 = arith.constant 0 : index
    %get3A_9 = arith.constant 4 : index
    %get3A_10 = vector.load %arg3[%get3A_8, %get3A_9] : memref<256x8xf32, #tpu.memory_space<vmem>>, vector<256x1xf32>
    %get3A_11 = arith.constant 0 : index
    %get3A_12 = arith.constant 0 : index
    %get3A_13 = vector.load %arg4[%get3A_11, %get3A_12] : memref<8x1024xf32, #tpu.memory_space<vmem>>, vector<1x1024xf32>
    %add3A = vector.broadcast %get3A_7 : vector<256x1xf32> to vector<256x1024xf32>
    %add3A_14 = vector.broadcast %get3A_13 : vector<1x1024xf32> to vector<256x1024xf32>
    %add3A_15 = arith.addf %add3A, %add3A_14 : vector<256x1024xf32>
    %ge3A = arith.constant 0.000000e+00 : f32
    %ge3A_16 = vector.broadcast %ge3A : f32 to vector<256x1024xf32>
    %ge3A_17 = arith.cmpf oge, %add3A_15, %ge3A_16 : vector<256x1024xf32>
    %mul3A = arith.constant 2.000000e-01 : f32
    %mul3A_18 = vector.broadcast %mul3A : f32 to vector<256x1024xf32>
    %mul3A_19 = arith.mulf %mul3A_18, %add3A_15 : vector<256x1024xf32>
    %select_n3A = arith.select %ge3A_17, %add3A_15, %mul3A_19 : vector<256x1024xi1>, vector<256x1024xf32>
    %sub3A = vector.broadcast %get3A_10 : vector<256x1xf32> to vector<256x1024xf32>
    %sub3A_20 = arith.subf %select_n3A, %sub3A : vector<256x1024xf32>
    %exp3A = math.exp %sub3A_20 : vector<256x1024xf32>
    %mul3A_21 = arith.mulf %exp3A, %convert_element_type3A : vector<256x1024xf32>
    %mul3A_22 = arith.constant 1024 : i32
    %mul3A_23 = arith.muli %arg1, %mul3A_22 : i32
    %get3A_24 = arith.index_cast %mul3A_23 : i32 to index
    %get3A_25 = arith.constant 0 : index
    %get3A_26 = vector.load %arg5[%get3A_24, %get3A_25] : memref<4096x128xf32, #tpu.memory_space<vmem>>, vector<1024x32xf32>
    %get3A_27 = arith.constant 0 : index
    %get3A_28 = arith.constant 0 : index
    %get3A_29 = vector.load %arg7[%get3A_27, %get3A_28] : memref<256x128xf32, #tpu.memory_space<vmem>>, vector<256x32xf32>
    %dot_general3A = arith.constant dense<0.000000e+00> : vector<256x32xf32>
    %dot_general3A_30 = tpu.matmul %mul3A_21, %get3A_26, %dot_general3A {dimension_numbers = #tpu.dot_dimension_numbers<[1], [0], [0], [1], [0, 0, 1, 1], [], []>, transpose_lhs_hint = false} : vector<256x1024xf32>, vector<1024x32xf32>, vector<256x32xf32> -> vector<256x32xf32>
    %add3A_31 = arith.addf %get3A_29, %dot_general3A_30 : vector<256x32xf32>
    %swap3A = arith.constant 0 : index
    %swap3A_32 = arith.constant 0 : index
    %swap3A_33 = vector.load %arg7[%swap3A, %swap3A_32] : memref<256x128xf32, #tpu.memory_space<vmem>>, vector<256x32xf32>
    tpu.vector_store %arg7[%swap3A, %swap3A_32], %add3A_31 {strides = array<i32>} : memref<256x128xf32, #tpu.memory_space<vmem>>, vector<256x32xf32>,
    %get3A_34 = arith.constant 0 : index
    %get3A_35 = arith.constant 0 : index
    %get3A_36 = vector.load %arg8[%get3A_34, %get3A_35] : memref<256x8xf32, #tpu.memory_space<vmem>>, vector<256x1xf32>
    %reduce_sum3A = arith.constant dense<0.000000e+00> : vector<256xf32>
    %reduce_sum3A_37 = vector.multi_reduction <add>, %mul3A_21, %reduce_sum3A [1] : vector<256x1024xf32> to vector<256xf32>
    %broadcast_in_dim3A = vector.shape_cast %reduce_sum3A_37 : vector<256xf32> to vector<256x1xf32>
    %add3A_38 = arith.addf %get3A_36, %broadcast_in_dim3A : vector<256x1xf32>
    %swap3A_39 = arith.constant 0 : index
    %swap3A_40 = arith.constant 0 : index
    %swap3A_41 = vector.load %arg8[%swap3A_39, %swap3A_40] : memref<256x8xf32, #tpu.memory_space<vmem>>, vector<256x1xf32>
    tpu.vector_store %arg8[%swap3A_39, %swap3A_40], %add3A_38 {strides = array<i32>} : memref<256x8xf32, #tpu.memory_space<vmem>>, vector<256x1xf32>,
    %get3A_42 = arith.constant 0 : index
    %get3A_43 = arith.constant 1 : index
    %get3A_44 = vector.load %arg3[%get3A_42, %get3A_43] : memref<256x8xf32, #tpu.memory_space<vmem>>, vector<256x1xf32>
    %get3A_45 = arith.constant 0 : index
    %get3A_46 = arith.constant 5 : index
    %get3A_47 = vector.load %arg3[%get3A_45, %get3A_46] : memref<256x8xf32, #tpu.memory_space<vmem>>, vector<256x1xf32>
    %get3A_48 = arith.constant 1 : index
    %get3A_49 = arith.constant 0 : index
    %get3A_50 = vector.load %arg4[%get3A_48, %get3A_49] : memref<8x1024xf32, #tpu.memory_space<vmem>>, vector<1x1024xf32>
    %add3A_51 = vector.broadcast %get3A_44 : vector<256x1xf32> to vector<256x1024xf32>
    %add3A_52 = vector.broadcast %get3A_50 : vector<1x1024xf32> to vector<256x1024xf32>
    %add3A_53 = arith.addf %add3A_51, %add3A_52 : vector<256x1024xf32>
    %ge3A_54 = arith.constant 0.000000e+00 : f32
    %ge3A_55 = vector.broadcast %ge3A_54 : f32 to vector<256x1024xf32>
    %ge3A_56 = arith.cmpf oge, %add3A_53, %ge3A_55 : vector<256x1024xf32>
    %mul3A_57 = arith.constant 2.000000e-01 : f32
    %mul3A_58 = vector.broadcast %mul3A_57 : f32 to vector<256x1024xf32>
    %mul3A_59 = arith.mulf %mul3A_58, %add3A_53 : vector<256x1024xf32>
    %select_n3A_60 = arith.select %ge3A_56, %add3A_53, %mul3A_59 : vector<256x1024xi1>, vector<256x1024xf32>
    %sub3A_61 = vector.broadcast %get3A_47 : vector<256x1xf32> to vector<256x1024xf32>
    %sub3A_62 = arith.subf %select_n3A_60, %sub3A_61 : vector<256x1024xf32>
    %exp3A_63 = math.exp %sub3A_62 : vector<256x1024xf32>
    %mul3A_64 = arith.mulf %exp3A_63, %convert_element_type3A : vector<256x1024xf32>
    %mul3A_65 = arith.constant 1024 : i32
    %mul3A_66 = arith.muli %arg1, %mul3A_65 : i32
    %get3A_67 = arith.index_cast %mul3A_66 : i32 to index
    %get3A_68 = arith.constant 32 : index
    %get3A_69 = vector.load %arg5[%get3A_67, %get3A_68] : memref<4096x128xf32, #tpu.memory_space<vmem>>, vector<1024x32xf32>
    %get3A_70 = arith.constant 0 : index
    %get3A_71 = arith.constant 32 : index
    %get3A_72 = vector.load %arg7[%get3A_70, %get3A_71] : memref<256x128xf32, #tpu.memory_space<vmem>>, vector<256x32xf32>
    %dot_general3A_73 = arith.constant dense<0.000000e+00> : vector<256x32xf32>
    %dot_general3A_74 = tpu.matmul %mul3A_64, %get3A_69, %dot_general3A_73 {dimension_numbers = #tpu.dot_dimension_numbers<[1], [0], [0], [1], [0, 0, 1, 1], [], []>, transpose_lhs_hint = false} : vector<256x1024xf32>, vector<1024x32xf32>, vector<256x32xf32> -> vector<256x32xf32>
    %add3A_75 = arith.addf %get3A_72, %dot_general3A_74 : vector<256x32xf32>
    %swap3A_76 = arith.constant 0 : index
    %swap3A_77 = arith.constant 32 : index
    %swap3A_78 = vector.load %arg7[%swap3A_76, %swap3A_77] : memref<256x128xf32, #tpu.memory_space<vmem>>, vector<256x32xf32>
    tpu.vector_store %arg7[%swap3A_76, %swap3A_77], %add3A_75 {strides = array<i32>} : memref<256x128xf32, #tpu.memory_space<vmem>>, vector<256x32xf32>,
    %get3A_79 = arith.constant 0 : index
    %get3A_80 = arith.constant 1 : index
    %get3A_81 = vector.load %arg8[%get3A_79, %get3A_80] : memref<256x8xf32, #tpu.memory_space<vmem>>, vector<256x1xf32>
    %reduce_sum3A_82 = arith.constant dense<0.000000e+00> : vector<256xf32>
    %reduce_sum3A_83 = vector.multi_reduction <add>, %mul3A_64, %reduce_sum3A_82 [1] : vector<256x1024xf32> to vector<256xf32>
    %broadcast_in_dim3A_84 = vector.shape_cast %reduce_sum3A_83 : vector<256xf32> to vector<256x1xf32>
    %add3A_85 = arith.addf %get3A_81, %broadcast_in_dim3A_84 : vector<256x1xf32>
    %swap3A_86 = arith.constant 0 : index
    %swap3A_87 = arith.constant 1 : index
    %swap3A_88 = vector.load %arg8[%swap3A_86, %swap3A_87] : memref<256x8xf32, #tpu.memory_space<vmem>>, vector<256x1xf32>
    tpu.vector_store %arg8[%swap3A_86, %swap3A_87], %add3A_85 {strides = array<i32>} : memref<256x8xf32, #tpu.memory_space<vmem>>, vector<256x1xf32>,
    %get3A_89 = arith.constant 0 : index
    %get3A_90 = arith.constant 2 : index
    %get3A_91 = vector.load %arg3[%get3A_89, %get3A_90] : memref<256x8xf32, #tpu.memory_space<vmem>>, vector<256x1xf32>
    %get3A_92 = arith.constant 0 : index
    %get3A_93 = arith.constant 6 : index
    %get3A_94 = vector.load %arg3[%get3A_92, %get3A_93] : memref<256x8xf32, #tpu.memory_space<vmem>>, vector<256x1xf32>
    %get3A_95 = arith.constant 2 : index
    %get3A_96 = arith.constant 0 : index
    %get3A_97 = vector.load %arg4[%get3A_95, %get3A_96] : memref<8x1024xf32, #tpu.memory_space<vmem>>, vector<1x1024xf32>
    %add3A_98 = vector.broadcast %get3A_91 : vector<256x1xf32> to vector<256x1024xf32>
    %add3A_99 = vector.broadcast %get3A_97 : vector<1x1024xf32> to vector<256x1024xf32>
    %add3A_100 = arith.addf %add3A_98, %add3A_99 : vector<256x1024xf32>
    %ge3A_101 = arith.constant 0.000000e+00 : f32
    %ge3A_102 = vector.broadcast %ge3A_101 : f32 to vector<256x1024xf32>
    %ge3A_103 = arith.cmpf oge, %add3A_100, %ge3A_102 : vector<256x1024xf32>
    %mul3A_104 = arith.constant 2.000000e-01 : f32
    %mul3A_105 = vector.broadcast %mul3A_104 : f32 to vector<256x1024xf32>
    %mul3A_106 = arith.mulf %mul3A_105, %add3A_100 : vector<256x1024xf32>
    %select_n3A_107 = arith.select %ge3A_103, %add3A_100, %mul3A_106 : vector<256x1024xi1>, vector<256x1024xf32>
    %sub3A_108 = vector.broadcast %get3A_94 : vector<256x1xf32> to vector<256x1024xf32>
    %sub3A_109 = arith.subf %select_n3A_107, %sub3A_108 : vector<256x1024xf32>
    %exp3A_110 = math.exp %sub3A_109 : vector<256x1024xf32>
    %mul3A_111 = arith.mulf %exp3A_110, %convert_element_type3A : vector<256x1024xf32>
    %mul3A_112 = arith.constant 1024 : i32
    %mul3A_113 = arith.muli %arg1, %mul3A_112 : i32
    %get3A_114 = arith.index_cast %mul3A_113 : i32 to index
    %get3A_115 = arith.constant 64 : index
    %get3A_116 = vector.load %arg5[%get3A_114, %get3A_115] : memref<4096x128xf32, #tpu.memory_space<vmem>>, vector<1024x32xf32>
    %get3A_117 = arith.constant 0 : index
    %get3A_118 = arith.constant 64 : index
    %get3A_119 = vector.load %arg7[%get3A_117, %get3A_118] : memref<256x128xf32, #tpu.memory_space<vmem>>, vector<256x32xf32>
    %dot_general3A_120 = arith.constant dense<0.000000e+00> : vector<256x32xf32>
    %dot_general3A_121 = tpu.matmul %mul3A_111, %get3A_116, %dot_general3A_120 {dimension_numbers = #tpu.dot_dimension_numbers<[1], [0], [0], [1], [0, 0, 1, 1], [], []>, transpose_lhs_hint = false} : vector<256x1024xf32>, vector<1024x32xf32>, vector<256x32xf32> -> vector<256x32xf32>
    %add3A_122 = arith.addf %get3A_119, %dot_general3A_121 : vector<256x32xf32>
    %swap3A_123 = arith.constant 0 : index
    %swap3A_124 = arith.constant 64 : index
    %swap3A_125 = vector.load %arg7[%swap3A_123, %swap3A_124] : memref<256x128xf32, #tpu.memory_space<vmem>>, vector<256x32xf32>
    tpu.vector_store %arg7[%swap3A_123, %swap3A_124], %add3A_122 {strides = array<i32>} : memref<256x128xf32, #tpu.memory_space<vmem>>, vector<256x32xf32>,
    %get3A_126 = arith.constant 0 : index
    %get3A_127 = arith.constant 2 : index
    %get3A_128 = vector.load %arg8[%get3A_126, %get3A_127] : memref<256x8xf32, #tpu.memory_space<vmem>>, vector<256x1xf32>
    %reduce_sum3A_129 = arith.constant dense<0.000000e+00> : vector<256xf32>
    %reduce_sum3A_130 = vector.multi_reduction <add>, %mul3A_111, %reduce_sum3A_129 [1] : vector<256x1024xf32> to vector<256xf32>
    %broadcast_in_dim3A_131 = vector.shape_cast %reduce_sum3A_130 : vector<256xf32> to vector<256x1xf32>
    %add3A_132 = arith.addf %get3A_128, %broadcast_in_dim3A_131 : vector<256x1xf32>
    %swap3A_133 = arith.constant 0 : index
    %swap3A_134 = arith.constant 2 : index
    %swap3A_135 = vector.load %arg8[%swap3A_133, %swap3A_134] : memref<256x8xf32, #tpu.memory_space<vmem>>, vector<256x1xf32>
    tpu.vector_store %arg8[%swap3A_133, %swap3A_134], %add3A_132 {strides = array<i32>} : memref<256x8xf32, #tpu.memory_space<vmem>>, vector<256x1xf32>,
    %get3A_136 = arith.constant 0 : index
    %get3A_137 = arith.constant 3 : index
    %get3A_138 = vector.load %arg3[%get3A_136, %get3A_137] : memref<256x8xf32, #tpu.memory_space<vmem>>, vector<256x1xf32>
    %get3A_139 = arith.constant 0 : index
    %get3A_140 = arith.constant 7 : index
    %get3A_141 = vector.load %arg3[%get3A_139, %get3A_140] : memref<256x8xf32, #tpu.memory_space<vmem>>, vector<256x1xf32>
    %get3A_142 = arith.constant 3 : index
    %get3A_143 = arith.constant 0 : index
    %get3A_144 = vector.load %arg4[%get3A_142, %get3A_143] : memref<8x1024xf32, #tpu.memory_space<vmem>>, vector<1x1024xf32>
    %add3A_145 = vector.broadcast %get3A_138 : vector<256x1xf32> to vector<256x1024xf32>
    %add3A_146 = vector.broadcast %get3A_144 : vector<1x1024xf32> to vector<256x1024xf32>
    %add3A_147 = arith.addf %add3A_145, %add3A_146 : vector<256x1024xf32>
    %ge3A_148 = arith.constant 0.000000e+00 : f32
    %ge3A_149 = vector.broadcast %ge3A_148 : f32 to vector<256x1024xf32>
    %ge3A_150 = arith.cmpf oge, %add3A_147, %ge3A_149 : vector<256x1024xf32>
    %mul3A_151 = arith.constant 2.000000e-01 : f32
    %mul3A_152 = vector.broadcast %mul3A_151 : f32 to vector<256x1024xf32>
    %mul3A_153 = arith.mulf %mul3A_152, %add3A_147 : vector<256x1024xf32>
    %select_n3A_154 = arith.select %ge3A_150, %add3A_147, %mul3A_153 : vector<256x1024xi1>, vector<256x1024xf32>
    %sub3A_155 = vector.broadcast %get3A_141 : vector<256x1xf32> to vector<256x1024xf32>
    %sub3A_156 = arith.subf %select_n3A_154, %sub3A_155 : vector<256x1024xf32>
    %exp3A_157 = math.exp %sub3A_156 : vector<256x1024xf32>
    %mul3A_158 = arith.mulf %exp3A_157, %convert_element_type3A : vector<256x1024xf32>
    %mul3A_159 = arith.constant 1024 : i32
    %mul3A_160 = arith.muli %arg1, %mul3A_159 : i32
    %get3A_161 = arith.index_cast %mul3A_160 : i32 to index
    %get3A_162 = arith.constant 96 : index
    %get3A_163 = vector.load %arg5[%get3A_161, %get3A_162] : memref<4096x128xf32, #tpu.memory_space<vmem>>, vector<1024x32xf32>
    %get3A_164 = arith.constant 0 : index
    %get3A_165 = arith.constant 96 : index
    %get3A_166 = vector.load %arg7[%get3A_164, %get3A_165] : memref<256x128xf32, #tpu.memory_space<vmem>>, vector<256x32xf32>
    %dot_general3A_167 = arith.constant dense<0.000000e+00> : vector<256x32xf32>
    %dot_general3A_168 = tpu.matmul %mul3A_158, %get3A_163, %dot_general3A_167 {dimension_numbers = #tpu.dot_dimension_numbers<[1], [0], [0], [1], [0, 0, 1, 1], [], []>, transpose_lhs_hint = false} : vector<256x1024xf32>, vector<1024x32xf32>, vector<256x32xf32> -> vector<256x32xf32>
    %add3A_169 = arith.addf %get3A_166, %dot_general3A_168 : vector<256x32xf32>
    %swap3A_170 = arith.constant 0 : index
    %swap3A_171 = arith.constant 96 : index
    %swap3A_172 = vector.load %arg7[%swap3A_170, %swap3A_171] : memref<256x128xf32, #tpu.memory_space<vmem>>, vector<256x32xf32>
    tpu.vector_store %arg7[%swap3A_170, %swap3A_171], %add3A_169 {strides = array<i32>} : memref<256x128xf32, #tpu.memory_space<vmem>>, vector<256x32xf32>,
    %get3A_173 = arith.constant 0 : index
    %get3A_174 = arith.constant 3 : index
    %get3A_175 = vector.load %arg8[%get3A_173, %get3A_174] : memref<256x8xf32, #tpu.memory_space<vmem>>, vector<256x1xf32>
    %reduce_sum3A_176 = arith.constant dense<0.000000e+00> : vector<256xf32>
    %reduce_sum3A_177 = vector.multi_reduction <add>, %mul3A_158, %reduce_sum3A_176 [1] : vector<256x1024xf32> to vector<256xf32>
    %broadcast_in_dim3A_178 = vector.shape_cast %reduce_sum3A_177 : vector<256xf32> to vector<256x1xf32>
    %add3A_179 = arith.addf %get3A_175, %broadcast_in_dim3A_178 : vector<256x1xf32>
    %swap3A_180 = arith.constant 0 : index
    %swap3A_181 = arith.constant 3 : index
    %swap3A_182 = vector.load %arg8[%swap3A_180, %swap3A_181] : memref<256x8xf32, #tpu.memory_space<vmem>>, vector<256x1xf32>
    tpu.vector_store %arg8[%swap3A_180, %swap3A_181], %add3A_179 {strides = array<i32>} : memref<256x8xf32, #tpu.memory_space<vmem>>, vector<256x1xf32>,
    %eq3A_183 = arith.constant 3 : i32
    %eq3A_184 = arith.cmpi eq, %arg1, %eq3A_183 : i32
    %convert_element_type3A_185 = arith.extui %eq3A_184 : i1 to i32
    %cond3A_186 = arith.constant 0 : i32
    %cond3A_187 = arith.cmpi ne, %convert_element_type3A_185, %cond3A_186 : i32
    scf.if %cond3A_187 {
      %get3A_188 = arith.constant 0 : index
      %get3A_189 = arith.constant 0 : index
      %get3A_190 = vector.load %arg7[%get3A_188, %get3A_189] : memref<256x128xf32, #tpu.memory_space<vmem>>, vector<256x32xf32>
      %get3A_191 = arith.constant 0 : index
      %get3A_192 = arith.constant 0 : index
      %get3A_193 = vector.load %arg8[%get3A_191, %get3A_192] : memref<256x8xf32, #tpu.memory_space<vmem>>, vector<256x1xf32>
      %div3A = vector.broadcast %get3A_193 : vector<256x1xf32> to vector<256x32xf32>
      %div3A_194 = arith.divf %get3A_190, %div3A : vector<256x32xf32>
      %get3A_195 = arith.constant 0 : index
      %get3A_196 = arith.constant 32 : index
      %get3A_197 = vector.load %arg7[%get3A_195, %get3A_196] : memref<256x128xf32, #tpu.memory_space<vmem>>, vector<256x32xf32>
      %get3A_198 = arith.constant 0 : index
      %get3A_199 = arith.constant 1 : index
      %get3A_200 = vector.load %arg8[%get3A_198, %get3A_199] : memref<256x8xf32, #tpu.memory_space<vmem>>, vector<256x1xf32>
      %div3A_201 = vector.broadcast %get3A_200 : vector<256x1xf32> to vector<256x32xf32>
      %div3A_202 = arith.divf %get3A_197, %div3A_201 : vector<256x32xf32>
      %add3A_203 = arith.addf %div3A_194, %div3A_202 : vector<256x32xf32>
      %get3A_204 = arith.constant 0 : index
      %get3A_205 = arith.constant 64 : index
      %get3A_206 = vector.load %arg7[%get3A_204, %get3A_205] : memref<256x128xf32, #tpu.memory_space<vmem>>, vector<256x32xf32>
      %get3A_207 = arith.constant 0 : index
      %get3A_208 = arith.constant 2 : index
      %get3A_209 = vector.load %arg8[%get3A_207, %get3A_208] : memref<256x8xf32, #tpu.memory_space<vmem>>, vector<256x1xf32>
      %div3A_210 = vector.broadcast %get3A_209 : vector<256x1xf32> to vector<256x32xf32>
      %div3A_211 = arith.divf %get3A_206, %div3A_210 : vector<256x32xf32>
      %add3A_212 = arith.addf %add3A_203, %div3A_211 : vector<256x32xf32>
      %get3A_213 = arith.constant 0 : index
      %get3A_214 = arith.constant 96 : index
      %get3A_215 = vector.load %arg7[%get3A_213, %get3A_214] : memref<256x128xf32, #tpu.memory_space<vmem>>, vector<256x32xf32>
      %get3A_216 = arith.constant 0 : index
      %get3A_217 = arith.constant 3 : index
      %get3A_218 = vector.load %arg8[%get3A_216, %get3A_217] : memref<256x8xf32, #tpu.memory_space<vmem>>, vector<256x1xf32>
      %div3A_219 = vector.broadcast %get3A_218 : vector<256x1xf32> to vector<256x32xf32>
      %div3A_220 = arith.divf %get3A_215, %div3A_219 : vector<256x32xf32>
      %add3A_221 = arith.addf %add3A_212, %div3A_220 : vector<256x32xf32>
      %mul3A_222 = arith.constant 2.500000e-01 : f32
      %mul3A_223 = vector.broadcast %mul3A_222 : f32 to vector<256x32xf32>
      %mul3A_224 = arith.mulf %add3A_221, %mul3A_223 : vector<256x32xf32>
      %swap3A_225 = arith.constant 0 : index
      %swap3A_226 = arith.constant 0 : index
      %swap3A_227 = vector.load %arg6[%swap3A_225, %swap3A_226] : memref<256x32xf32, #tpu.memory_space<vmem>>, vector<256x32xf32>
      tpu.vector_store %arg6[%swap3A_225, %swap3A_226], %mul3A_224 {strides = array<i32>} : memref<256x32xf32, #tpu.memory_space<vmem>>, vector<256x32xf32>,
    } else {
    }
    return
  }
  func.func @transform_0(%arg0: i32, %arg1: i32) -> (i32, i32) {
    %c0_i32 = arith.constant 0 : i32
    return %arg0, %arg1 : i32, i32
  }
  func.func @transform_1(%arg0: i32, %arg1: i32) -> (i32, i32) {
    %c0_i32 = arith.constant 0 : i32
    %c0_i32_0 = arith.constant 0 : i32
    return %arg0, %c0_i32 : i32, i32
  }
  func.func @transform_2(%arg0: i32, %arg1: i32) -> (i32, i32) {
    %c0_i32 = arith.constant 0 : i32
    %c0_i32_0 = arith.constant 0 : i32
    return %c0_i32, %arg1 : i32, i32
  }
  func.func @transform_3(%arg0: i32, %arg1: i32) -> (i32, i32) {
    %c0_i32 = arith.constant 0 : i32
    %c0_i32_0 = arith.constant 0 : i32
    %c0_i32_1 = arith.constant 0 : i32
    return %c0_i32, %c0_i32_0 : i32, i32
  }
  func.func @transform_4(%arg0: i32, %arg1: i32) -> (i32, i32) {
    %c0_i32 = arith.constant 0 : i32
    %c0_i32_0 = arith.constant 0 : i32
    return %arg0, %c0_i32 : i32, i32
  }
}

</mosaic_0001>

<sc_bundles>
// kernel: kernel.9.cloned.1.call-start
scs
__scs_entry_jumppad:
0x0: {  	(pc) =	sbr.rel $0x88, $3  }
0x1: {  	(tag) =	ssettag $0x0;
	lr =	simm.s32 $0x1  }
0x2: {  	[smem:$0x3F9B] =	sst lr;
	_ =	strace $0xD0000000  }
0x3: {  	_ = 	snop  }
0x4: {  	_ = 	snop  }
0x5: {  	_ = 	snop  }
0x6: {  	_ = 	snop  }
0x7: {  	_ = 	snop  }
__scs_overlays_trampoline_lowered:
0x8: {  	[smem:$0x3FAA] =	sst s0  }
0x9: {  	[smem:$0x3FAB] =	sst s1  }
0xa: {  	[smem:$0x3FAC] =	sst s2  }
0xb: {  	[smem:$0x3FAD] =	sst s3  }
0xc: {  	[smem:$0x3FAE] =	sst s4  }
0xd: {  	[smem:$0x3FAF] =	sst s5  }
0xe: {  	[smem:$0x3FB0] =	sst s6  }
0xf: {  	[smem:$0x3FB1] =	sst s7  }
0x10: {  	[smem:$0x3FB2] =	sst s8  }
0x11: {  	[smem:$0x3FB3] =	sst s9;
	s0 =	simm.s32 @!p0 $0x0  }
0x12: {  	s1 =	sld [smem:$0x3F99];
	s0 =	simm.s32 @p0 $0x1  }
0x13: {  	[smem:$0x3FB4] =	sst s0;
	s0 =	simm.s32 @!p1 $0x0  }
0x14: {  	s2 =	sld [smem:$0x3F98];
	s0 =	simm.s32 @p1 $0x1  }
0x15: {  	[smem:$0x3FB5] =	sst s0;
	s0 =	simm.s32 @!p2 $0x0  }
0x16: {  	s3 =	sld [smem:$0x3FDB];
	s0 =	simm.s32 @p2 $0x1  }
0x17: {  	s4 =	simm.s32 $0x1BF5;
	[smem:$0x3FB7] =	sst s0  }
0x18: {  	s0 =	sld [smem:$0x3F9A];
	_ =	swait.ge [sflag:s4], $0x0  }
0x19: {  	s7 =	sld [smem:$0x3F9B]  }
0x1a: {  	s8 =	sadd.s32 $0xFFFFE003, lr  }
0x1b: {  	s9 =	sadd.s32 $0xFFFFFEF7, lr;
	s5 =	simm.s32 $0xFFFFFFFF;
	p2 =	slt.u32 s8, $0xFFFFF086  }
0x1c: {  	p1 =	slt.u32 s9, $0xF7A;
	s5 =	simm.s32 @!p2 $0x0  }
0x1d: {  	s5 =	simm.s32 @p1 $0x1;
	p0 =	seq.s32 s7, s2  }
0x1e: {  	s7 =	smul.u32 @!p0 $0xF7A, s2;
	p2 =	seq.s32 @!p0 s5, $0x0  }
0x1f: {  	s9 =	smul.u32 $0xF7A, s1;
	s8 =	simm.s32 @!p0 $0x1BF5;
	p2 =	por !p2, p0  }
0x20: {  	[sflag:s8] =	ssyncset.s32 @!p0 $0xFFFFF086;
	s6 =	sadd.s32 @!p0 s3, s7;
	s7 =	simm.s32 @!p0 $0x108  }
0x21: {  	s3 =	sadd.s32 s3, s9;
	s6 =	sadd.s32 @!p0 $0x88, s6;
	s7 =	simm.s32 @p2 $0x1082  }
0x22: {  	[simem:s7], [sflag:s8] =	dma.local @!p0 [hbm:s6], $0xF7A  }
0x23: {  	s9 =	sor.u32 $0xD0000000, s2;
	s6 =	simm.s32 $0x108;
	_ =	swait.ge @!p0 [sflag:s8], $0x0  }
0x24: {  	s3 =	sadd.s32 $0x88, s3;
	s6 =	simm.s32 @!p1 $0x1082;
	[sflag:s4] =	ssyncset.s32 $0xFFFFF086  }
0x25: {  	[simem:s6], [sflag:s4] =	dma.local [hbm:s3], $0xF7A  }
0x26: {  	[smem:$0x3F9B] =	sst s1;
	(tag) =	ssettag s2;
	_ =	strace s9  }
0x27: {  	s1 =	sld [smem:$0x3FAB]  }
0x28: {  	s2 =	sld [smem:$0x3FAC]  }
0x29: {  	s4 =	sld [smem:$0x3FAE]  }
0x2a: {  	p0 =	seq.s32 s5, $0x0;
	s5 =	sld [smem:$0x3FAF]  }
0x2b: {  	s6 =	sld [smem:$0x3FB0]  }
0x2c: {  	s7 =	sld [smem:$0x3FB1]  }
0x2d: {  	s3 =	simm.s32 $0x108;
	s8 =	sld [smem:$0x3FB2]  }
0x2e: {  	s3 =	simm.s32 @!p0 $0x1082;
	s9 =	sld [smem:$0x3FB3]  }
0x2f: {  	lr =	sadd.s32 s0, s3;
	s0 =	sld [smem:$0x3FAA]  }
0x30: {  	s3 =	sld [smem:$0x3FAD]  }
0x31: {  	[smem:$0x3FB6] =	sst s10  }
0x32: {  	s10 =	sld [smem:$0x3FB4];
	_ =	sdelay $0x3  }
0x33: {  	p0 =	seq.s32 s10, $0x1;
	s10 =	sld [smem:$0x3FB6];
	_ =	sdelay $0x3  }
0x34: {  	[smem:$0x3FB6] =	sst s10  }
0x35: {  	s10 =	sld [smem:$0x3FB5];
	_ =	sdelay $0x3  }
0x36: {  	p1 =	seq.s32 s10, $0x1;
	s10 =	sld [smem:$0x3FB6];
	_ =	sdelay $0x3  }
0x37: {  	[smem:$0x3FB6] =	sst s10  }
0x38: {  	s10 =	sld [smem:$0x3FB7]  }
0x39: {  	_ = 	snop;
	(pc) =	sbr.ind lr, $3  }
0x3a: {  	_ = 	snop  }
0x3b: {  	_ = 	snop  }
0x3c: {  	p2 =	seq.s32 s10, $0x1;
	s10 =	sld [smem:$0x3FB6]  }
0x3d: {  	_ =	shalt  }
0x3e: {  	_ =	shalt  }
0x3f: {  	_ =	shalt  }
0x40: {  	_ =	shalt  }
0x41: {  	_ =	shalt  }
0x42: {  	_ =	shalt  }
0x43: {  	_ =	shalt  }
0x44: {  	_ =	shalt  }
0x45: {  	_ =	shalt  }
0x46: {  	_ =	shalt  }
0x47: {  	_ =	shalt  }
0x48: {  	_ =	shalt  }
0x49: {  	_ =	shalt  }
0x4a: {  	_ =	shalt  }
0x4b: {  	_ =	shalt  }
0x4c: {  	_ =	shalt  }
0x4d: {  	_ =	shalt  }
0x4e: {  	_ =	shalt  }
0x4f: {  	_ =	shalt  }
0x50: {  	_ =	shalt  }
0x51: {  	_ =	shalt  }
0x52: {  	_ =	shalt  }
0x53: {  	_ =	shalt  }
0x54: {  	_ =	shalt  }
0x55: {  	_ =	shalt  }
0x56: {  	_ =	shalt  }
0x57: {  	_ =	shalt  }
0x58: {  	_ =	shalt  }
0x59: {  	_ =	shalt  }
0x5a: {  	_ =	shalt  }
0x5b: {  	_ =	shalt  }
0x5c: {  	_ =	shalt  }
0x5d: {  	_ =	shalt  }
0x5e: {  	_ =	shalt  }
0x5f: {  	_ =	shalt  }
0x60: {  	_ =	shalt  }
0x61: {  	_ =	shalt  }
0x62: {  	_ =	shalt  }
0x63: {  	_ =	shalt  }
0x64: {  	_ =	shalt  }
0x65: {  	_ =	shalt  }
0x66: {  	_ =	shalt  }
0x67: {  	_ =	shalt  }
0x68: {  	_ =	shalt  }
0x69: {  	_ =	shalt  }
0x6a: {  	_ =	shalt  }
0x6b: {  	_ =	shalt  }
0x6c: {  	_ =	shalt  }
0x6d: {  	_ =	shalt  }
0x6e: {  	_ =	shalt  }
0x6f: {  	_ =	shalt  }
0x70: {  	_ =	shalt  }
0x71: {  	_ =	shalt  }
0x72: {  	_ =	shalt  }
0x73: {  	_ =	shalt  }
0x74: {  	_ =	shalt  }
0x75: {  	_ =	shalt  }
0x76: {  	_ =	shalt  }
0x77: {  	_ =	shalt  }
0x78: {  	_ =	shalt  }
0x79: {  	_ =	shalt  }
0x7a: {  	_ =	shalt  }
0x7b: {  	_ =	shalt  }
0x7c: {  	_ =	shalt  }
0x7d: {  	_ =	shalt  }
0x7e: {  	_ =	shalt  }
0x7f: {  	_ =	shalt  }
0x80: {  	_ =	shalt  }
0x81: {  	_ =	shalt  }
0x82: {  	_ =	shalt  }
0x83: {  	_ =	shalt  }
0x84: {  	_ =	shalt  }
0x85: {  	_ =	shalt  }
0x86: {  	_ =	shalt  }
0x87: {  	_ =	shalt  }
.Lfunc_end0:
.L_simem_size_0:
called_computation_lowered:
.L_overlay_start_0:
0x88: {  	s2 =	sld [smem:$0x3FD9]  }
0x89: {  	s3 =	sld [smem:$0x3FFE];
	_ =	sdelay $0x1  }
0x8a: {  	s1 =	srdreg.scid  }
0x8b: {  	s0 =	sand.u32 $0x1, s1  }
0x8c: {  	s17 =	sshll.u32 s0, $0xA;
	s2 =	sadd.s32 s3, s2  }
0x8d: {  	s2 =	sadd.s32 s2, s17  }
0x8e: {  	[smem:$0x3FC2] =	sst s2  }
0x8f: {  	_ = 	snop  }
0x90: {  	s2 =	sld [smem:$0x3FC9]  }
0x91: {  	s18 =	sld [smem:$0x3FC7];
	(tm) =	ssettm $0x1  }
0x92: {  	s4 =	sld [smem:$0x3FFB];
	_ =	sdelay $0x3  }
0x93: {  	_ =	strace s4  }
0x94: {  	s4 =	sld [smem:$0x3FFC];
	_ =	sdelay $0x3  }
0x95: {  	_ =	strace s4  }
0x96: {  	s4 =	sld [smem:$0x3FFD];
	_ =	sdelay $0x3  }
0x97: {  	_ =	strace s4  }
0x98: {  	_ =	strace $0x8FFFFFFF  }
0x99: {  	s19 =	sld [smem:$0x3FDB];
	_ =	sdelay $0x1  }
0x9a: {  	s5 =	simm.s32 $_scs_section_size  }
0x9b: {  	s6 =	simm.s32 $_size__tile_overlayer_lowered;
	s7 =	simm.s32 $_tile_overlayer_lowered  }
0x9c: {  	s22 =	simm.s32 $0x1BFF;
	s21 =	sshll.u32 s7, $0x1;
	s4 =	sadd.s32 s5, s19  }
0x9d: {  	s8 =	simm.s32 $0x0;
	s20 =	sshll.u32 s6, $0x1;
	s6 =	sadd.s32 s21, s4  }
0x9e: {  	[timem:s8], [sflag:s22] =	dma.local [hbm:s6], s20  }
0x9f: {  	_ =	swait.ge [sflag:s22], s20  }
0xa0: {  	s5 =	ssub.s32 $0x0, s20;
	[sflag:s22] =	ssyncset.done $0x0  }
0xa1: {  	[sflag:s22] =	ssyncadd.s32 s5;
	_ =	sdelay $0x1  }
0xa2: {  	s23 =	simm.s32 $0x1B8B  }
0xa3: {  	_ =	swait.ge [sflag:s23], $0x1  }
0xa4: {  	[sflag:s23] =	ssyncset.done $0x0  }
0xa5: {  	s25 =	simm.s32 $0x1B8E;
	s24 =	sld [smem:$0x3FFE];
	[sflag:s23] =	ssyncadd.s32 $0xFFFFFFFF  }
0xa6: {  	s26 =	simm.s32 $execute0_lowered;
	[smem:$0x3FD2] =	sst s25  }
0xa7: {  	s6 =	sshll.u32 s26, $0x1;
	_ =	strace $0x80000046;
	[dreg:$0x1] =	wrdreg $0xFFFFFFFF  }
0xa8: {  	s28 =	simm.s32 $_size_execute0_lowered;
	s4 =	sadd.s32 s4, s6;
	[dreg:$0x0] =	wrdreg $0x0  }
0xa9: {  	s6 =	sshll.u32 s28, $0x1;
	[dreg:$0x2] =	wrdreg s4  }
0xaa: {  	[dreg:$0x3] =	wrdreg s6  }
0xab: {  	[dreg:$0x4] =	wrdreg $0xC0  }
0xac: {  	_ =	task [dreg:s8], $0x5FFFF  }
0xad: {  	[dreg:$0x1] =	wrdreg $0xFFFFFFFF  }
0xae: {  	[dreg:$0x0] =	wrdreg $0x60  }
0xaf: {  	[dreg:$0x2] =	wrdreg s18  }
0xb0: {  	[dreg:$0x3] =	wrdreg s2  }
0xb1: {  	[dreg:$0x4] =	wrdreg s24  }
0xb2: {  	[dreg:$0x5] =	wrdreg $0x9  }
0xb3: {  	_ =	task.clear_ibuf [dreg:s8], $0x6FFFF;
	_ =	strace $0x90000046  }
0xb4: {  	s29 =	simm.s32 $0x9;
	_ =	strace $0x80000048  }
0xb5: {  	_ =	swait.ge [sflag:s29], $0x1  }
0xb6: {  	[sflag:s29] =	ssyncadd.s32 $0xFFFFFFFF  }
0xb7: {  	_ =	strace $0x90000048  }
0xb8: {  	_ =	sfence  }
0xb9: {  	s30 =	sld [smem:$0x0];
	_ =	sdelay $0x2  }
0xba: {  	s31 =	sshll.u32 s1, $0xD;
	s1 =	sshrl.u32 s1, $0x2  }
0xbb: {  	s3 =	sand.u32 $0x4000, s31;
	s1 =	sadd.s32 s1, s30  }
0xbc: {  	s0 =	sor.u32 s3, s0;
	s1 =	sshll.u32 s1, $0x11  }
0xbd: {  	s0 =	sor.u32 s1, s0  }
0xbe: {  	s0 =	sadd.s32 $0x8F2B, s0  }
0xbf: {  	[sflag:s0] =	ssyncadd.remote.s32 $0x1  }
0xc0: {  	_ =	sfence.sel $0xFFFF  }
0xc1: {  	[dreg:$0x0] =	wrdreg $0xFFFFFFFF;
	(pc) =	sbr.abs _section_cstart, $3  }
0xc2: {  	[dreg:$0x1] =	wrdreg $0xFFFFFFFF  }
0xc3: {  	_ =	task.clear_ibuf [dreg:s8], $0x2FFFF;
	_ =	strace $0x9FFFFFFF  }
0xc4: {  	(tm) =	ssettm $0x7FFFFFFF  }
0xc5: {  	_ =	shalt  }
tec
execute0_lowered:
.L_overlay_start_1:
0x0: {  	(tag) =	ssettag $0x1  }
0x1: {  	s1 =	rddreg [dreg:$0x0];
	s2 =	srdreg.scid  }
0x2: {  	s4 =	rddreg [dreg:$0x1];
	s0 =	stileid.u32  }
0x3: {  	s8 =	rddreg [dreg:$0x2];
	s3 =	simm.s32 $0x0;
	s6 =	sand.u32 $0x1, s2  }
0x4: {  	s5 =	sshll.u32 s0, $0x8;
	s2 =	rddreg [dreg:$0x3];
	s7 =	sshll.u32 s6, $0x7  }
0x5: {  	[smem:$0x7FF] =	sst s3;
	s9 =	sor.u32 s7, s5  }
0x6: {  	_ =	strace $0x80000047;
	s10 =	ssub.s32 $0x2, s6;
	s5 =	sshrl.u32 s9, $0x3  }
0x7: {  	s6 =	simm.s32 $0x80;
	s5 =	sadd.s32 s4, s5;
	s4 =	simm.s32 $0x2  }
0x8: {  	[tilespmem:s3], [sflag:$0x2] =	stream.linear.gather [hbm4b:s5+s3], $0x80, $0x38;
	[tilespmem:$0x4080] =	vst v63  }
0x9: {  	s7 =	simm.s32 $0x1;
	s11 =	sshrl.u32 s10, $0x1;
	_ =	swait.ge [sflag:s4], $0x80  }
0xa: {  	s9 =	sshll.u32 s9, $0x4;
	s31 =	ssub.s32 s10, s11;
	[sflag:s4] =	ssyncset.done $0x0  }
0xb: {  	s8 =	sadd.s32 s9, s8;
	s9 =	smax.u32 s31, $0x1;
	[sflag:s4] =	ssyncadd.s32 $0xFFFFFF80  }
0xc: {  	[tilespmem:s6], [sflag:$0x1] =	stream.indirect.gather [hbm4b:s1+s6], $0x80, s3, s6, $0xb8;
	[tilespmem:$0x4080] =	vst v63  }
0xd: {  	p0 =	sne.s32 s9, $0x1;
	_ =	swait.ge [sflag:s7], $0x4000  }
.Ltmp0:
0xe: {  	[sflag:s7] =	ssyncset.done $0x0;
	(pc) =	sbr.rel @!p0 .LBB2_2-.Ltmp0, $4  }
0xf: {  	s8 =	sadd.s32 $0x1A00, s8;
	[sflag:s7] =	ssyncadd.s32 $0xFFFFC000  }
0x10: {  	[hbm4b:s8+s3] =	stream.linear.scatter [tilespmem:s6], [sflag:$0x2], $0x4000, $0x38;
	[tilespmem:$0x4080] =	vst v63  }
0x11: {  	_ =	swait.ge [sflag:s4], $0x4000  }
0x12: {  	s9 =	sadd.s32 $0xFFFFFFFF, s9;
	[sflag:s4] =	ssyncset.done $0x0  }
.LBB2_1:
0x13: {  	p0 =	sne.s32 s9, $0x1;
	s9 =	sadd.s32 $0xFFFFFFFF, s9;
	[sflag:s4] =	ssyncadd.s32 $0xFFFFC000  }
0x14: {  	[tilespmem:s3], [sflag:$0x2] =	stream.linear.gather [hbm4b:s5+s3], $0x80, $0x38;
	[tilespmem:$0x4080] =	vst v63  }
0x15: {  	_ =	swait.ge [sflag:s4], $0x80  }
0x16: {  	[sflag:s4] =	ssyncset.done $0x0  }
0x17: {  	[sflag:s4] =	ssyncadd.s32 $0xFFFFFF80  }
0x18: {  	[tilespmem:s6], [sflag:$0x1] =	stream.indirect.gather [hbm4b:s1+s6], $0x80, s3, s6, $0xb8;
	[tilespmem:$0x4080] =	vst v63  }
0x19: {  	_ =	swait.ge [sflag:s7], $0x4000  }
.Ltmp1:
0x1a: {  	[sflag:s7] =	ssyncset.done $0x0;
	(pc) =	sbr.rel @p0 .LBB2_1-.Ltmp1, $4  }
0x1b: {  	[sflag:s7] =	ssyncadd.s32 $0xFFFFC000  }
0x1c: {  	[hbm4b:s8+s3] =	stream.linear.scatter [tilespmem:s6], [sflag:$0x2], $0x4000, $0x38;
	[tilespmem:$0x4080] =	vst v63  }
0x1d: {  	_ =	swait.ge [sflag:s4], $0x4000  }
0x1e: {  	[sflag:s4] =	ssyncset.done $0x0  }
.LBB2_2:
0x1f: {  	[sflag:s4] =	ssyncadd.s32 $0xFFFFC000  }
0x20: {  	_ =	sfence.sel $0x180000  }
0x21: {  	[bflag:$0x0] =	sbarrier.arrive $0xFFFF  }
0x22: {  	p0 =	sne.s32 s0, $0x0;
	_ =	strace $0x90000047  }
0x23: {  	s0 =	sadd.s32 @!p0 $0x100000, s2;
	[bflag:$0x2] =	sbarrier.arrive $0xFFFF  }
0x24: {  	[sflag:s0] =	ssyncadd.tile.s32 @!p0 $0x1;
	_ =	shalt  }
.Lfunc_end2:
_tile_overlayer_lowered:
.L_overlay_start_2:
0x25: {  	(tag) =	ssettag $0x2  }
0x26: {  	s0 =	rddreg [dreg:$0x0];
	s2 =	stileid.u32  }
0x27: {  	s1 =	rddreg [dreg:$0x1];
	p0 =	sne.s32 s2, $0x0  }
0x28: {  	s3 =	rddreg [dreg:$0x2];
	[bflag:$0x3] =	sbarrier.arrive $0xFFFF;
	s2 =	simm.s32 @!p0 $0x1C02  }
0x29: {  	[timem:s3], [sflag:s2] =	dma.local @!p0 [hbm:s0], s1  }
0x2a: {  	s0 =	simm.s32 @!p0 $0x2  }
0x2b: {  	_ =	swait.ge @!p0 [sflag:s0], s1  }
0x2c: {  	s1 =	ssub.s32 @!p0 $0x0, s1;
	[sflag:s0] =	ssyncset.done @!p0 $0x0  }
0x2d: {  	[sflag:s0] =	ssyncadd.s32 @!p0 s1  }
0x2e: {  	[bflag:$0x3] =	sbarrier.arrive $0xFFFF  }
0x2f: {  	_ =	shalt  }

</sc_bundles>
